<compile_context>
chip_gen: v7x
topology: tpu7x:2x2x1
jax: 0.10.2.dev20260603
libtpu: 0.0.44.dev20260713+nightly
codegen_flags: <defaults>
</compile_context>

<pallas_src>
import functools
import math

import jax
import jax.numpy as jnp
from jax import lax
from jax.experimental import pallas as pl
from jax.experimental.pallas import tpu as pltpu
from jax.experimental.pallas import tpu_sc as plsc

B, Q, NE, H, W = 4, 128, 128, 128, 128
ROWS = 8192
C = (H * W) // ROWS
N_BIG = B * H * W * Q
N_SMALL = B * Q

SC_NC, SC_NS, SC_L = 1, 16, 16
SC_NW = SC_NC * SC_NS


def _dense_kernel(seg_ref, mask_ref, bce_ref, p_ref, st_ref, pst_ref):
    c = pl.program_id(1)

    x = seg_ref[...].astype(jnp.bfloat16)
    z = mask_ref[...].astype(jnp.bfloat16)
    one = jnp.bfloat16(1.0)
    zero = jnp.bfloat16(0.0)
    nx = -x
    e = jnp.exp(jnp.minimum(x, nx))
    u = one + e
    bce16 = jnp.maximum(jnp.where(z > zero, nx, x), zero) + jnp.log(u)
    r = one / u
    p16 = jnp.where(x >= zero, r, e * r)
    pz16 = jnp.where(z > zero, p16, zero)

    ones = jnp.ones((1, ROWS), jnp.bfloat16)
    dims = (((1,), (0,)), ((), ()))
    def _colsum(v):
        return jax.lax.dot_general(ones, v, dims,
                                   preferred_element_type=jnp.float32)
    bce_l = _colsum(bce16).reshape(1, 1, Q)
    p_l = _colsum(p16).reshape(1, 1, Q)
    st_l = _colsum(z).reshape(1, 1, Q)
    pst_l = _colsum(pz16).reshape(1, 1, Q)

    @pl.when(c == 0)
    def _init():
        bce_ref[...] = bce_l
        p_ref[...] = p_l
        st_ref[...] = st_l
        pst_ref[...] = pst_l

    @pl.when(c != 0)
    def _acc():
        bce_ref[...] += bce_l
        p_ref[...] += p_l
        st_ref[...] += st_l
        pst_ref[...] += pst_l


def _sc_pair_kernel(mu0_h, mu1_h, x0_h, x1_h, a_h, b_h, c_h,
                    hub_h, quad_h,
                    v0, v1, v2, v3, v4, v5, v6, v7, v8):
    wid = lax.axis_index("s") * SC_NC + lax.axis_index("c")
    per_tile = N_SMALL // SC_NW
    for k in range(per_tile // SC_L):
        base = wid * per_tile + k * SC_L
        pltpu.sync_copy(mu0_h.at[pl.ds(base, SC_L)], v0)
        pltpu.sync_copy(mu1_h.at[pl.ds(base, SC_L)], v1)
        pltpu.sync_copy(x0_h.at[pl.ds(base, SC_L)], v2)
        pltpu.sync_copy(x1_h.at[pl.ds(base, SC_L)], v3)
        pltpu.sync_copy(a_h.at[pl.ds(base, SC_L)], v4)
        pltpu.sync_copy(b_h.at[pl.ds(base, SC_L)], v5)
        pltpu.sync_copy(c_h.at[pl.ds(base, SC_L)], v6)
        d0 = v2[...] - v0[...]
        d1 = v3[...] - v1[...]
        y0 = d0 / v4[...]
        y1 = (d1 - v5[...] * y0) / v6[...]
        quad = 0.5 * (y0 * y0 + y1 * y1)
        ad0 = jnp.abs(d0)
        ad1 = jnp.abs(d1)
        hub = (jnp.where(ad0 < 1.0, 0.5 * ad0 * ad0, ad0 - 0.5)
               + jnp.where(ad1 < 1.0, 0.5 * ad1 * ad1, ad1 - 0.5))
        v7[...] = hub
        v8[...] = quad
        pltpu.sync_copy(v7, hub_h.at[pl.ds(base, SC_L)])
        pltpu.sync_copy(v8, quad_h.at[pl.ds(base, SC_L)])


_sc_pair_losses = functools.partial(
    pl.kernel,
    mesh=plsc.VectorSubcoreMesh(core_axis_name="c", subcore_axis_name="s",
                                num_cores=SC_NC),
    out_type=[jax.ShapeDtypeStruct((N_SMALL,), jnp.float32)] * 2,
    scratch_types=[pltpu.VMEM((SC_L,), jnp.float32)] * 9,
)(_sc_pair_kernel)


def _final_kernel(small_ref, bce_ref, p_ref, st_ref, pst_ref,
                  hub_ref, quad_ref, out_ref):
    def _tot(v):
        return jnp.sum(v.reshape(1, -1), axis=1, keepdims=True)

    bce_loss = _tot(bce_ref[...]) / N_BIG

    ps = p_ref[...]
    ss = st_ref[...]
    xs = pst_ref[...]
    dice = 1.0 - (2.0 * xs + 1.0) / (ps + ss + 1.0)
    dice_loss = _tot(dice) / N_SMALL

    sm = small_ref[...]
    la, lc = sm[4:5, :], sm[6:7, :]
    lg = sm[7:8, :]

    cls = jnp.maximum(lg, 0.0) - lg + jnp.log1p(jnp.exp(-jnp.abs(lg)))
    class_loss = _tot(cls) / N_SMALL

    nll_loss = (_tot(quad_ref[...]) / N_SMALL
                + _tot(jnp.log(jnp.abs(la)) + jnp.log(jnp.abs(lc))) / N_SMALL
                + math.log(2.0 * math.pi))
    huber_loss = _tot(hub_ref[...]) / (2 * N_SMALL)

    out_ref[...] = (class_loss + bce_loss + dice_loss
                    + nll_loss + huber_loss)


@jax.jit
def _run(small, seg, mask):
    hub, quad = _sc_pair_losses(small[0], small[1], small[2], small[3],
                                small[4], small[5], small[6])
    parts = pl.pallas_call(
        _dense_kernel,
        grid=(B, C),
        in_specs=[
            pl.BlockSpec((ROWS, Q), lambda b, c: (b * C + c, 0)),
            pl.BlockSpec((ROWS, Q), lambda b, c: (b * C + c, 0)),
        ],
        out_specs=[pl.BlockSpec((1, 1, Q), lambda b, c: (b, 0, 0))] * 4,
        out_shape=[jax.ShapeDtypeStruct((B, 1, Q), jnp.float32)] * 4,
        compiler_params=pltpu.CompilerParams(
            dimension_semantics=("parallel", "arbitrary")),
    )(seg, mask)
    parts = [v.reshape(B, Q) for v in parts]
    return pl.pallas_call(
        _final_kernel,
        out_shape=jax.ShapeDtypeStruct((1, 1), jnp.float32),
    )(small, *parts, hub.reshape(1, N_SMALL), quad.reshape(1, N_SMALL))


def kernel(pred_logits, pred_segmentation_logits, true_segmentation_mask,
           pred_positions, pred_std_dev_cholesky, true_positions,
           matched_indices, query_batch_offsets, electron_batch_offsets):
    small = jnp.stack([
        pred_positions[:, 0], pred_positions[:, 1],
        true_positions[:, 0], true_positions[:, 1],
        pred_std_dev_cholesky[:, 0, 0],
        pred_std_dev_cholesky[:, 1, 0],
        pred_std_dev_cholesky[:, 1, 1],
        pred_logits,
    ])
    seg = pred_segmentation_logits.reshape(B * H * W, Q)
    mask = true_segmentation_mask.reshape(B * H * W, Q)
    out = _run(small, seg, mask)
    return out[0, 0]

# --- scband reference (transcript-rebuilt; emitter-appended) ---
"""Pipeline reference for scband-emcriterion-64836826300503 (READ-ONLY COPY).

The authoritative reference and input builder live on the scoring server;
editing this copy changes nothing except your own understanding.
"""

import jax, jax.numpy as jnp
import numpy as np

B, Q, NE, H, W = 4, 128, 128, 128, 128


def _bce_logits(x, z):
    return jnp.maximum(x, 0.0) - x * z + jnp.log1p(jnp.exp(-jnp.abs(x)))


def setup_inputs(seed: int = 0):
    key = jax.random.key(seed)
    ks = jax.random.split(key, 6)
    pred_logits = jax.random.normal(ks[0], (B * Q,), dtype=jnp.float32)
    pred_segmentation_logits = jax.random.normal(ks[1], (B, H, W, Q), dtype=jnp.float32)
    true_segmentation_mask = (jax.random.uniform(ks[2], (B, H, W, NE)) > 0.9).astype(jnp.float32)
    pred_positions = jax.random.uniform(ks[3], (B * Q, 2), dtype=jnp.float32)
    u = jax.random.uniform(ks[4], (B * Q, 2, 2), dtype=jnp.float32)
    a = 0.1 + u[:, 0, 0]
    b = 0.3 * (u[:, 1, 0] - 0.5)
    c = 0.1 + u[:, 1, 1]
    z = jnp.zeros_like(a)
    pred_std_dev_cholesky = jnp.stack([jnp.stack([a, z], -1), jnp.stack([b, c], -1)], -2)
    true_positions = jax.random.uniform(ks[5], (B * NE, 2), dtype=jnp.float32)
    matched_indices = jnp.tile(jnp.arange(Q, dtype=jnp.int32)[None, None, :], (B, 2, 1))
    query_batch_offsets = jnp.arange(B, dtype=jnp.int32) * Q
    electron_batch_offsets = jnp.arange(B, dtype=jnp.int32) * NE
    return {"pred_logits": pred_logits, "pred_segmentation_logits": pred_segmentation_logits, "true_segmentation_mask": true_segmentation_mask, "pred_positions": pred_positions, "pred_std_dev_cholesky": pred_std_dev_cholesky, "true_positions": true_positions, "matched_indices": matched_indices, "query_batch_offsets": query_batch_offsets, "electron_batch_offsets": electron_batch_offsets}


def reference(pred_logits, pred_segmentation_logits, true_segmentation_mask, pred_positions, pred_std_dev_cholesky, true_positions, matched_indices, query_batch_offsets, electron_batch_offsets):
    no_electron_weight = 0.1
    # ---- query classification loss (weighted BCE-with-logits) ----
    labels = jnp.zeros_like(pred_logits)
    true_entries = (matched_indices[:, 0, :] + query_batch_offsets[:, None]).reshape(-1)
    labels = labels.at[true_entries].set(1.0)
    weights = jnp.where(labels > 0, 1.0, no_electron_weight)
    class_loss = jnp.sum(weights * _bce_logits(pred_logits, labels)) / jnp.sum(weights)
    # ---- sort predicted/true segmentation maps by matched indices (gather on last dim) ----
    sp = jax.vmap(lambda m, idx: jnp.take(m, idx, axis=-1))(pred_segmentation_logits, matched_indices[:, 0, :])
    st = jax.vmap(lambda m, idx: jnp.take(m, idx, axis=-1))(true_segmentation_mask, matched_indices[:, 1, :])
    # ---- mask BCE loss ----
    bce_loss = jnp.mean(_bce_logits(sp, st))
    # ---- mask dice loss ----
    p = jax.nn.sigmoid(sp)
    num = 2.0 * jnp.sum(p * st, axis=(1, 2))
    den = jnp.sum(p, axis=(1, 2)) + jnp.sum(st, axis=(1, 2))
    dice_loss = jnp.mean(1.0 - (num + 1.0) / (den + 1.0))
    # ---- sort positions / cholesky factors by matched indices ----
    pq = true_entries
    te = (matched_indices[:, 1, :] + electron_batch_offsets[:, None]).reshape(-1)
    mu = jnp.take(pred_positions, pq, axis=0)
    L = jnp.take(pred_std_dev_cholesky, pq, axis=0)
    x = jnp.take(true_positions, te, axis=0)
    d = x - mu
    a = L[:, 0, 0]
    b = L[:, 1, 0]
    c = L[:, 1, 1]
    y0 = d[:, 0] / a
    y1 = (d[:, 1] - b * y0) / c
    nll_loss = jnp.mean(0.5 * (y0 * y0 + y1 * y1) + jnp.log(jnp.abs(a)) + jnp.log(jnp.abs(c)) + jnp.log(2.0 * jnp.pi))
    ad = jnp.abs(d)
    huber_loss = jnp.mean(jnp.where(ad < 1.0, 0.5 * ad * ad, ad - 0.5))
    total = 1.0 * class_loss + 1.0 * bce_loss + 1.0 * dice_loss + 1.0 * nll_loss + 1.0 * huber_loss
    return total

if __name__ == "__main__":
    import jax
    _d = setup_inputs()
    print(jax.jit(kernel)(*tuple(_d.values())))

</pallas_src>

<mosaic_0001>
#map = affine_map<(d0, d1) -> (0)>
module attributes {stable_mosaic.version = 14 : i64} {
  func.func @_sc_pair_kernel(%arg0: i32, %arg1: i32, %arg2: memref<512xf32, #tpu.memory_space<hbm>>, %arg3: memref<512xf32, #tpu.memory_space<hbm>>, %arg4: memref<512xf32, #tpu.memory_space<hbm>>, %arg5: memref<512xf32, #tpu.memory_space<hbm>>, %arg6: memref<512xf32, #tpu.memory_space<hbm>>, %arg7: memref<512xf32, #tpu.memory_space<hbm>>, %arg8: memref<512xf32, #tpu.memory_space<hbm>>, %arg9: memref<512xf32, #tpu.memory_space<hbm>>, %arg10: memref<512xf32, #tpu.memory_space<hbm>>, %arg11: memref<16xf32, #tpu.memory_space<vmem>>, %arg12: memref<16xf32, #tpu.memory_space<vmem>>, %arg13: memref<16xf32, #tpu.memory_space<vmem>>, %arg14: memref<16xf32, #tpu.memory_space<vmem>>, %arg15: memref<16xf32, #tpu.memory_space<vmem>>, %arg16: memref<16xf32, #tpu.memory_space<vmem>>, %arg17: memref<16xf32, #tpu.memory_space<vmem>>, %arg18: memref<16xf32, #tpu.memory_space<vmem>>, %arg19: memref<16xf32, #tpu.memory_space<vmem>>) attributes {dimension_semantics = [#tpu.dimension_semantics<core_parallel>, #tpu.dimension_semantics<subcore_parallel>], iteration_bounds = array<i64: 1, 16>, scalar_prefetch = 0 : i64, scratch_operands = 9 : i64, tpu.core_type = #tpu.core_type<sc_vector_subcore>, window_params = [{transform_indices = #map}, {transform_indices = #map}, {transform_indices = #map}, {transform_indices = #map}, {transform_indices = #map}, {transform_indices = #map}, {transform_indices = #map}, {transform_indices = #map}, {transform_indices = #map}]} {
    %mul3A = arith.constant 1 : i32
    %mul3A_0 = arith.muli %arg1, %mul3A : i32
    %add3A = arith.addi %mul3A_0, %arg0 : i32
    %mul3A_1 = arith.constant 32 : i32
    %mul3A_2 = arith.muli %add3A, %mul3A_1 : i32
    %add3A_3 = arith.constant 0 : i32
    %add3A_4 = arith.addi %mul3A_2, %add3A_3 : i32
    "tpu.region"() ({
      %run_scoped3A = tpu.sem_alloc : memref<!tpu.dma_semaphore, #tpu.memory_space<semaphore_mem>>
      %dma_start3A = tpu.memref_slice %arg2[%add3A_4] : memref<512xf32, #tpu.memory_space<hbm>> -> memref<16xf32, #tpu.memory_space<hbm>>
      %dma_start3A_134 = tpu.memref_slice %arg2[%add3A_4] : memref<512xf32, #tpu.memory_space<hbm>> -> memref<16xf32, #tpu.memory_space<hbm>>
      tpu.enqueue_dma source(%dma_start3A_134 : memref<16xf32, #tpu.memory_space<hbm>>) target(%arg11 : memref<16xf32, #tpu.memory_space<vmem>>) target_semaphore(%run_scoped3A : memref<!tpu.dma_semaphore, #tpu.memory_space<semaphore_mem>>)
      %dma_wait3A = tpu.memref_slice %arg2[%add3A_4] : memref<512xf32, #tpu.memory_space<hbm>> -> memref<16xf32, #tpu.memory_space<hbm>>
      %dma_wait3A_135 = tpu.memref_slice %arg2[%add3A_4] : memref<512xf32, #tpu.memory_space<hbm>> -> memref<16xf32, #tpu.memory_space<hbm>>
      tpu.wait_dma2 semaphore(%run_scoped3A : memref<!tpu.dma_semaphore, #tpu.memory_space<semaphore_mem>>) src(%dma_wait3A_135 : memref<16xf32, #tpu.memory_space<hbm>>) dst(%arg11 : memref<16xf32, #tpu.memory_space<vmem>>)
      tpu.yield
    }) : () -> ()
    "tpu.region"() ({
      %run_scoped3A = tpu.sem_alloc : memref<!tpu.dma_semaphore, #tpu.memory_space<semaphore_mem>>
      %dma_start3A = tpu.memref_slice %arg3[%add3A_4] : memref<512xf32, #tpu.memory_space<hbm>> -> memref<16xf32, #tpu.memory_space<hbm>>
      %dma_start3A_134 = tpu.memref_slice %arg3[%add3A_4] : memref<512xf32, #tpu.memory_space<hbm>> -> memref<16xf32, #tpu.memory_space<hbm>>
      tpu.enqueue_dma source(%dma_start3A_134 : memref<16xf32, #tpu.memory_space<hbm>>) target(%arg12 : memref<16xf32, #tpu.memory_space<vmem>>) target_semaphore(%run_scoped3A : memref<!tpu.dma_semaphore, #tpu.memory_space<semaphore_mem>>)
      %dma_wait3A = tpu.memref_slice %arg3[%add3A_4] : memref<512xf32, #tpu.memory_space<hbm>> -> memref<16xf32, #tpu.memory_space<hbm>>
      %dma_wait3A_135 = tpu.memref_slice %arg3[%add3A_4] : memref<512xf32, #tpu.memory_space<hbm>> -> memref<16xf32, #tpu.memory_space<hbm>>
      tpu.wait_dma2 semaphore(%run_scoped3A : memref<!tpu.dma_semaphore, #tpu.memory_space<semaphore_mem>>) src(%dma_wait3A_135 : memref<16xf32, #tpu.memory_space<hbm>>) dst(%arg12 : memref<16xf32, #tpu.memory_space<vmem>>)
      tpu.yield
    }) : () -> ()
    "tpu.region"() ({
      %run_scoped3A = tpu.sem_alloc : memref<!tpu.dma_semaphore, #tpu.memory_space<semaphore_mem>>
      %dma_start3A = tpu.memref_slice %arg4[%add3A_4] : memref<512xf32, #tpu.memory_space<hbm>> -> memref<16xf32, #tpu.memory_space<hbm>>
      %dma_start3A_134 = tpu.memref_slice %arg4[%add3A_4] : memref<512xf32, #tpu.memory_space<hbm>> -> memref<16xf32, #tpu.memory_space<hbm>>
      tpu.enqueue_dma source(%dma_start3A_134 : memref<16xf32, #tpu.memory_space<hbm>>) target(%arg13 : memref<16xf32, #tpu.memory_space<vmem>>) target_semaphore(%run_scoped3A : memref<!tpu.dma_semaphore, #tpu.memory_space<semaphore_mem>>)
      %dma_wait3A = tpu.memref_slice %arg4[%add3A_4] : memref<512xf32, #tpu.memory_space<hbm>> -> memref<16xf32, #tpu.memory_space<hbm>>
      %dma_wait3A_135 = tpu.memref_slice %arg4[%add3A_4] : memref<512xf32, #tpu.memory_space<hbm>> -> memref<16xf32, #tpu.memory_space<hbm>>
      tpu.wait_dma2 semaphore(%run_scoped3A : memref<!tpu.dma_semaphore, #tpu.memory_space<semaphore_mem>>) src(%dma_wait3A_135 : memref<16xf32, #tpu.memory_space<hbm>>) dst(%arg13 : memref<16xf32, #tpu.memory_space<vmem>>)
      tpu.yield
    }) : () -> ()
    "tpu.region"() ({
      %run_scoped3A = tpu.sem_alloc : memref<!tpu.dma_semaphore, #tpu.memory_space<semaphore_mem>>
      %dma_start3A = tpu.memref_slice %arg5[%add3A_4] : memref<512xf32, #tpu.memory_space<hbm>> -> memref<16xf32, #tpu.memory_space<hbm>>
      %dma_start3A_134 = tpu.memref_slice %arg5[%add3A_4] : memref<512xf32, #tpu.memory_space<hbm>> -> memref<16xf32, #tpu.memory_space<hbm>>
      tpu.enqueue_dma source(%dma_start3A_134 : memref<16xf32, #tpu.memory_space<hbm>>) target(%arg14 : memref<16xf32, #tpu.memory_space<vmem>>) target_semaphore(%run_scoped3A : memref<!tpu.dma_semaphore, #tpu.memory_space<semaphore_mem>>)
      %dma_wait3A = tpu.memref_slice %arg5[%add3A_4] : memref<512xf32, #tpu.memory_space<hbm>> -> memref<16xf32, #tpu.memory_space<hbm>>
      %dma_wait3A_135 = tpu.memref_slice %arg5[%add3A_4] : memref<512xf32, #tpu.memory_space<hbm>> -> memref<16xf32, #tpu.memory_space<hbm>>
      tpu.wait_dma2 semaphore(%run_scoped3A : memref<!tpu.dma_semaphore, #tpu.memory_space<semaphore_mem>>) src(%dma_wait3A_135 : memref<16xf32, #tpu.memory_space<hbm>>) dst(%arg14 : memref<16xf32, #tpu.memory_space<vmem>>)
      tpu.yield
    }) : () -> ()
    "tpu.region"() ({
      %run_scoped3A = tpu.sem_alloc : memref<!tpu.dma_semaphore, #tpu.memory_space<semaphore_mem>>
      %dma_start3A = tpu.memref_slice %arg6[%add3A_4] : memref<512xf32, #tpu.memory_space<hbm>> -> memref<16xf32, #tpu.memory_space<hbm>>
      %dma_start3A_134 = tpu.memref_slice %arg6[%add3A_4] : memref<512xf32, #tpu.memory_space<hbm>> -> memref<16xf32, #tpu.memory_space<hbm>>
      tpu.enqueue_dma source(%dma_start3A_134 : memref<16xf32, #tpu.memory_space<hbm>>) target(%arg15 : memref<16xf32, #tpu.memory_space<vmem>>) target_semaphore(%run_scoped3A : memref<!tpu.dma_semaphore, #tpu.memory_space<semaphore_mem>>)
      %dma_wait3A = tpu.memref_slice %arg6[%add3A_4] : memref<512xf32, #tpu.memory_space<hbm>> -> memref<16xf32, #tpu.memory_space<hbm>>
      %dma_wait3A_135 = tpu.memref_slice %arg6[%add3A_4] : memref<512xf32, #tpu.memory_space<hbm>> -> memref<16xf32, #tpu.memory_space<hbm>>
      tpu.wait_dma2 semaphore(%run_scoped3A : memref<!tpu.dma_semaphore, #tpu.memory_space<semaphore_mem>>) src(%dma_wait3A_135 : memref<16xf32, #tpu.memory_space<hbm>>) dst(%arg15 : memref<16xf32, #tpu.memory_space<vmem>>)
      tpu.yield
    }) : () -> ()
    "tpu.region"() ({
      %run_scoped3A = tpu.sem_alloc : memref<!tpu.dma_semaphore, #tpu.memory_space<semaphore_mem>>
      %dma_start3A = tpu.memref_slice %arg7[%add3A_4] : memref<512xf32, #tpu.memory_space<hbm>> -> memref<16xf32, #tpu.memory_space<hbm>>
      %dma_start3A_134 = tpu.memref_slice %arg7[%add3A_4] : memref<512xf32, #tpu.memory_space<hbm>> -> memref<16xf32, #tpu.memory_space<hbm>>
      tpu.enqueue_dma source(%dma_start3A_134 : memref<16xf32, #tpu.memory_space<hbm>>) target(%arg16 : memref<16xf32, #tpu.memory_space<vmem>>) target_semaphore(%run_scoped3A : memref<!tpu.dma_semaphore, #tpu.memory_space<semaphore_mem>>)
      %dma_wait3A = tpu.memref_slice %arg7[%add3A_4] : memref<512xf32, #tpu.memory_space<hbm>> -> memref<16xf32, #tpu.memory_space<hbm>>
      %dma_wait3A_135 = tpu.memref_slice %arg7[%add3A_4] : memref<512xf32, #tpu.memory_space<hbm>> -> memref<16xf32, #tpu.memory_space<hbm>>
      tpu.wait_dma2 semaphore(%run_scoped3A : memref<!tpu.dma_semaphore, #tpu.memory_space<semaphore_mem>>) src(%dma_wait3A_135 : memref<16xf32, #tpu.memory_space<hbm>>) dst(%arg16 : memref<16xf32, #tpu.memory_space<vmem>>)
      tpu.yield
    }) : () -> ()
    "tpu.region"() ({
      %run_scoped3A = tpu.sem_alloc : memref<!tpu.dma_semaphore, #tpu.memory_space<semaphore_mem>>
      %dma_start3A = tpu.memref_slice %arg8[%add3A_4] : memref<512xf32, #tpu.memory_space<hbm>> -> memref<16xf32, #tpu.memory_space<hbm>>
      %dma_start3A_134 = tpu.memref_slice %arg8[%add3A_4] : memref<512xf32, #tpu.memory_space<hbm>> -> memref<16xf32, #tpu.memory_space<hbm>>
      tpu.enqueue_dma source(%dma_start3A_134 : memref<16xf32, #tpu.memory_space<hbm>>) target(%arg17 : memref<16xf32, #tpu.memory_space<vmem>>) target_semaphore(%run_scoped3A : memref<!tpu.dma_semaphore, #tpu.memory_space<semaphore_mem>>)
      %dma_wait3A = tpu.memref_slice %arg8[%add3A_4] : memref<512xf32, #tpu.memory_space<hbm>> -> memref<16xf32, #tpu.memory_space<hbm>>
      %dma_wait3A_135 = tpu.memref_slice %arg8[%add3A_4] : memref<512xf32, #tpu.memory_space<hbm>> -> memref<16xf32, #tpu.memory_space<hbm>>
      tpu.wait_dma2 semaphore(%run_scoped3A : memref<!tpu.dma_semaphore, #tpu.memory_space<semaphore_mem>>) src(%dma_wait3A_135 : memref<16xf32, #tpu.memory_space<hbm>>) dst(%arg17 : memref<16xf32, #tpu.memory_space<vmem>>)
      tpu.yield
    }) : () -> ()
    %get3A = arith.constant 0 : index
    %get3A_5 = tpu.vector_load %arg13[%get3A] {strides = array<i32>} : memref<16xf32, #tpu.memory_space<vmem>>, vector<16xf32>,
    %get3A_6 = vector.shape_cast %get3A_5 : vector<16xf32> to vector<16xf32>
    %get3A_7 = arith.constant 0 : index
    %get3A_8 = tpu.vector_load %arg11[%get3A_7] {strides = array<i32>} : memref<16xf32, #tpu.memory_space<vmem>>, vector<16xf32>,
    %get3A_9 = vector.shape_cast %get3A_8 : vector<16xf32> to vector<16xf32>
    %sub3A = arith.subf %get3A_6, %get3A_9 : vector<16xf32>
    %get3A_10 = arith.constant 0 : index
    %get3A_11 = tpu.vector_load %arg14[%get3A_10] {strides = array<i32>} : memref<16xf32, #tpu.memory_space<vmem>>, vector<16xf32>,
    %get3A_12 = vector.shape_cast %get3A_11 : vector<16xf32> to vector<16xf32>
    %get3A_13 = arith.constant 0 : index
    %get3A_14 = tpu.vector_load %arg12[%get3A_13] {strides = array<i32>} : memref<16xf32, #tpu.memory_space<vmem>>, vector<16xf32>,
    %get3A_15 = vector.shape_cast %get3A_14 : vector<16xf32> to vector<16xf32>
    %sub3A_16 = arith.subf %get3A_12, %get3A_15 : vector<16xf32>
    %get3A_17 = arith.constant 0 : index
    %get3A_18 = tpu.vector_load %arg15[%get3A_17] {strides = array<i32>} : memref<16xf32, #tpu.memory_space<vmem>>, vector<16xf32>,
    %get3A_19 = vector.shape_cast %get3A_18 : vector<16xf32> to vector<16xf32>
    %div3A = arith.divf %sub3A, %get3A_19 : vector<16xf32>
    %get3A_20 = arith.constant 0 : index
    %get3A_21 = tpu.vector_load %arg16[%get3A_20] {strides = array<i32>} : memref<16xf32, #tpu.memory_space<vmem>>, vector<16xf32>,
    %get3A_22 = vector.shape_cast %get3A_21 : vector<16xf32> to vector<16xf32>
    %mul3A_23 = arith.mulf %get3A_22, %div3A : vector<16xf32>
    %sub3A_24 = arith.subf %sub3A_16, %mul3A_23 : vector<16xf32>
    %get3A_25 = arith.constant 0 : index
    %get3A_26 = tpu.vector_load %arg17[%get3A_25] {strides = array<i32>} : memref<16xf32, #tpu.memory_space<vmem>>, vector<16xf32>,
    %get3A_27 = vector.shape_cast %get3A_26 : vector<16xf32> to vector<16xf32>
    %div3A_28 = arith.divf %sub3A_24, %get3A_27 : vector<16xf32>
    %mul3A_29 = arith.mulf %div3A, %div3A : vector<16xf32>
    %mul3A_30 = arith.mulf %div3A_28, %div3A_28 : vector<16xf32>
    %add3A_31 = arith.addf %mul3A_29, %mul3A_30 : vector<16xf32>
    %mul3A_32 = arith.constant 5.000000e-01 : f32
    %mul3A_33 = vector.broadcast %mul3A_32 : f32 to vector<16xf32>
    %mul3A_34 = arith.mulf %mul3A_33, %add3A_31 : vector<16xf32>
    %abs3A = math.absf %sub3A : vector<16xf32>
    %abs3A_35 = math.absf %sub3A_16 : vector<16xf32>
    %lt3A = arith.constant 1.000000e+00 : f32
    %lt3A_36 = vector.broadcast %lt3A : f32 to vector<16xf32>
    %lt3A_37 = arith.cmpf olt, %abs3A, %lt3A_36 : vector<16xf32>
    %mul3A_38 = arith.constant 5.000000e-01 : f32
    %mul3A_39 = vector.broadcast %mul3A_38 : f32 to vector<16xf32>
    %mul3A_40 = arith.mulf %mul3A_39, %abs3A : vector<16xf32>
    %mul3A_41 = arith.mulf %mul3A_40, %abs3A : vector<16xf32>
    %sub3A_42 = arith.constant 5.000000e-01 : f32
    %sub3A_43 = vector.broadcast %sub3A_42 : f32 to vector<16xf32>
    %sub3A_44 = arith.subf %abs3A, %sub3A_43 : vector<16xf32>
    %select_n3A = arith.select %lt3A_37, %mul3A_41, %sub3A_44 : vector<16xi1>, vector<16xf32>
    %lt3A_45 = arith.constant 1.000000e+00 : f32
    %lt3A_46 = vector.broadcast %lt3A_45 : f32 to vector<16xf32>
    %lt3A_47 = arith.cmpf olt, %abs3A_35, %lt3A_46 : vector<16xf32>
    %mul3A_48 = arith.constant 5.000000e-01 : f32
    %mul3A_49 = vector.broadcast %mul3A_48 : f32 to vector<16xf32>
    %mul3A_50 = arith.mulf %mul3A_49, %abs3A_35 : vector<16xf32>
    %mul3A_51 = arith.mulf %mul3A_50, %abs3A_35 : vector<16xf32>
    %sub3A_52 = arith.constant 5.000000e-01 : f32
    %sub3A_53 = vector.broadcast %sub3A_52 : f32 to vector<16xf32>
    %sub3A_54 = arith.subf %abs3A_35, %sub3A_53 : vector<16xf32>
    %select_n3A_55 = arith.select %lt3A_47, %mul3A_51, %sub3A_54 : vector<16xi1>, vector<16xf32>
    %add3A_56 = arith.addf %select_n3A, %select_n3A_55 : vector<16xf32>
    %swap3A = arith.constant 0 : index
    %swap3A_57 = tpu.vector_load %arg18[%swap3A] {strides = array<i32>} : memref<16xf32, #tpu.memory_space<vmem>>, vector<16xf32>,
    %swap3A_58 = vector.shape_cast %swap3A_57 : vector<16xf32> to vector<16xf32>
    %swap3A_59 = vector.shape_cast %add3A_56 : vector<16xf32> to vector<16xf32>
    tpu.vector_store %arg18[%swap3A], %swap3A_59 {strides = array<i32>} : memref<16xf32, #tpu.memory_space<vmem>>, vector<16xf32>,
    %swap3A_60 = arith.constant 0 : index
    %swap3A_61 = tpu.vector_load %arg19[%swap3A_60] {strides = array<i32>} : memref<16xf32, #tpu.memory_space<vmem>>, vector<16xf32>,
    %swap3A_62 = vector.shape_cast %swap3A_61 : vector<16xf32> to vector<16xf32>
    %swap3A_63 = vector.shape_cast %mul3A_34 : vector<16xf32> to vector<16xf32>
    tpu.vector_store %arg19[%swap3A_60], %swap3A_63 {strides = array<i32>} : memref<16xf32, #tpu.memory_space<vmem>>, vector<16xf32>,
    "tpu.region"() ({
      %run_scoped3A = tpu.sem_alloc : memref<!tpu.dma_semaphore, #tpu.memory_space<semaphore_mem>>
      %dma_start3A = tpu.memref_slice %arg9[%add3A_4] : memref<512xf32, #tpu.memory_space<hbm>> -> memref<16xf32, #tpu.memory_space<hbm>>
      %dma_start3A_134 = tpu.memref_slice %arg9[%add3A_4] : memref<512xf32, #tpu.memory_space<hbm>> -> memref<16xf32, #tpu.memory_space<hbm>>
      tpu.enqueue_dma source(%arg18 : memref<16xf32, #tpu.memory_space<vmem>>) target(%dma_start3A_134 : memref<16xf32, #tpu.memory_space<hbm>>) target_semaphore(%run_scoped3A : memref<!tpu.dma_semaphore, #tpu.memory_space<semaphore_mem>>)
      %dma_wait3A = tpu.memref_slice %arg9[%add3A_4] : memref<512xf32, #tpu.memory_space<hbm>> -> memref<16xf32, #tpu.memory_space<hbm>>
      %dma_wait3A_135 = tpu.memref_slice %arg9[%add3A_4] : memref<512xf32, #tpu.memory_space<hbm>> -> memref<16xf32, #tpu.memory_space<hbm>>
      tpu.wait_dma2 semaphore(%run_scoped3A : memref<!tpu.dma_semaphore, #tpu.memory_space<semaphore_mem>>) src(%arg18 : memref<16xf32, #tpu.memory_space<vmem>>) dst(%dma_wait3A_135 : memref<16xf32, #tpu.memory_space<hbm>>)
      tpu.yield
    }) : () -> ()
    "tpu.region"() ({
      %run_scoped3A = tpu.sem_alloc : memref<!tpu.dma_semaphore, #tpu.memory_space<semaphore_mem>>
      %dma_start3A = tpu.memref_slice %arg10[%add3A_4] : memref<512xf32, #tpu.memory_space<hbm>> -> memref<16xf32, #tpu.memory_space<hbm>>
      %dma_start3A_134 = tpu.memref_slice %arg10[%add3A_4] : memref<512xf32, #tpu.memory_space<hbm>> -> memref<16xf32, #tpu.memory_space<hbm>>
      tpu.enqueue_dma source(%arg19 : memref<16xf32, #tpu.memory_space<vmem>>) target(%dma_start3A_134 : memref<16xf32, #tpu.memory_space<hbm>>) target_semaphore(%run_scoped3A : memref<!tpu.dma_semaphore, #tpu.memory_space<semaphore_mem>>)
      %dma_wait3A = tpu.memref_slice %arg10[%add3A_4] : memref<512xf32, #tpu.memory_space<hbm>> -> memref<16xf32, #tpu.memory_space<hbm>>
      %dma_wait3A_135 = tpu.memref_slice %arg10[%add3A_4] : memref<512xf32, #tpu.memory_space<hbm>> -> memref<16xf32, #tpu.memory_space<hbm>>
      tpu.wait_dma2 semaphore(%run_scoped3A : memref<!tpu.dma_semaphore, #tpu.memory_space<semaphore_mem>>) src(%arg19 : memref<16xf32, #tpu.memory_space<vmem>>) dst(%dma_wait3A_135 : memref<16xf32, #tpu.memory_space<hbm>>)
      tpu.yield
    }) : () -> ()
    %mul3A_64 = arith.constant 32 : i32
    %mul3A_65 = arith.muli %add3A, %mul3A_64 : i32
    %add3A_66 = arith.constant 16 : i32
    %add3A_67 = arith.addi %mul3A_65, %add3A_66 : i32
    "tpu.region"() ({
      %run_scoped3A = tpu.sem_alloc : memref<!tpu.dma_semaphore, #tpu.memory_space<semaphore_mem>>
      %dma_start3A = tpu.memref_slice %arg2[%add3A_67] : memref<512xf32, #tpu.memory_space<hbm>> -> memref<16xf32, #tpu.memory_space<hbm>>
      %dma_start3A_134 = tpu.memref_slice %arg2[%add3A_67] : memref<512xf32, #tpu.memory_space<hbm>> -> memref<16xf32, #tpu.memory_space<hbm>>
      tpu.enqueue_dma source(%dma_start3A_134 : memref<16xf32, #tpu.memory_space<hbm>>) target(%arg11 : memref<16xf32, #tpu.memory_space<vmem>>) target_semaphore(%run_scoped3A : memref<!tpu.dma_semaphore, #tpu.memory_space<semaphore_mem>>)
      %dma_wait3A = tpu.memref_slice %arg2[%add3A_67] : memref<512xf32, #tpu.memory_space<hbm>> -> memref<16xf32, #tpu.memory_space<hbm>>
      %dma_wait3A_135 = tpu.memref_slice %arg2[%add3A_67] : memref<512xf32, #tpu.memory_space<hbm>> -> memref<16xf32, #tpu.memory_space<hbm>>
      tpu.wait_dma2 semaphore(%run_scoped3A : memref<!tpu.dma_semaphore, #tpu.memory_space<semaphore_mem>>) src(%dma_wait3A_135 : memref<16xf32, #tpu.memory_space<hbm>>) dst(%arg11 : memref<16xf32, #tpu.memory_space<vmem>>)
      tpu.yield
    }) : () -> ()
    "tpu.region"() ({
      %run_scoped3A = tpu.sem_alloc : memref<!tpu.dma_semaphore, #tpu.memory_space<semaphore_mem>>
      %dma_start3A = tpu.memref_slice %arg3[%add3A_67] : memref<512xf32, #tpu.memory_space<hbm>> -> memref<16xf32, #tpu.memory_space<hbm>>
      %dma_start3A_134 = tpu.memref_slice %arg3[%add3A_67] : memref<512xf32, #tpu.memory_space<hbm>> -> memref<16xf32, #tpu.memory_space<hbm>>
      tpu.enqueue_dma source(%dma_start3A_134 : memref<16xf32, #tpu.memory_space<hbm>>) target(%arg12 : memref<16xf32, #tpu.memory_space<vmem>>) target_semaphore(%run_scoped3A : memref<!tpu.dma_semaphore, #tpu.memory_space<semaphore_mem>>)
      %dma_wait3A = tpu.memref_slice %arg3[%add3A_67] : memref<512xf32, #tpu.memory_space<hbm>> -> memref<16xf32, #tpu.memory_space<hbm>>
      %dma_wait3A_135 = tpu.memref_slice %arg3[%add3A_67] : memref<512xf32, #tpu.memory_space<hbm>> -> memref<16xf32, #tpu.memory_space<hbm>>
      tpu.wait_dma2 semaphore(%run_scoped3A : memref<!tpu.dma_semaphore, #tpu.memory_space<semaphore_mem>>) src(%dma_wait3A_135 : memref<16xf32, #tpu.memory_space<hbm>>) dst(%arg12 : memref<16xf32, #tpu.memory_space<vmem>>)
      tpu.yield
    }) : () -> ()
    "tpu.region"() ({
      %run_scoped3A = tpu.sem_alloc : memref<!tpu.dma_semaphore, #tpu.memory_space<semaphore_mem>>
      %dma_start3A = tpu.memref_slice %arg4[%add3A_67] : memref<512xf32, #tpu.memory_space<hbm>> -> memref<16xf32, #tpu.memory_space<hbm>>
      %dma_start3A_134 = tpu.memref_slice %arg4[%add3A_67] : memref<512xf32, #tpu.memory_space<hbm>> -> memref<16xf32, #tpu.memory_space<hbm>>
      tpu.enqueue_dma source(%dma_start3A_134 : memref<16xf32, #tpu.memory_space<hbm>>) target(%arg13 : memref<16xf32, #tpu.memory_space<vmem>>) target_semaphore(%run_scoped3A : memref<!tpu.dma_semaphore, #tpu.memory_space<semaphore_mem>>)
      %dma_wait3A = tpu.memref_slice %arg4[%add3A_67] : memref<512xf32, #tpu.memory_space<hbm>> -> memref<16xf32, #tpu.memory_space<hbm>>
      %dma_wait3A_135 = tpu.memref_slice %arg4[%add3A_67] : memref<512xf32, #tpu.memory_space<hbm>> -> memref<16xf32, #tpu.memory_space<hbm>>
      tpu.wait_dma2 semaphore(%run_scoped3A : memref<!tpu.dma_semaphore, #tpu.memory_space<semaphore_mem>>) src(%dma_wait3A_135 : memref<16xf32, #tpu.memory_space<hbm>>) dst(%arg13 : memref<16xf32, #tpu.memory_space<vmem>>)
      tpu.yield
    }) : () -> ()
    "tpu.region"() ({
      %run_scoped3A = tpu.sem_alloc : memref<!tpu.dma_semaphore, #tpu.memory_space<semaphore_mem>>
      %dma_start3A = tpu.memref_slice %arg5[%add3A_67] : memref<512xf32, #tpu.memory_space<hbm>> -> memref<16xf32, #tpu.memory_space<hbm>>
      %dma_start3A_134 = tpu.memref_slice %arg5[%add3A_67] : memref<512xf32, #tpu.memory_space<hbm>> -> memref<16xf32, #tpu.memory_space<hbm>>
      tpu.enqueue_dma source(%dma_start3A_134 : memref<16xf32, #tpu.memory_space<hbm>>) target(%arg14 : memref<16xf32, #tpu.memory_space<vmem>>) target_semaphore(%run_scoped3A : memref<!tpu.dma_semaphore, #tpu.memory_space<semaphore_mem>>)
      %dma_wait3A = tpu.memref_slice %arg5[%add3A_67] : memref<512xf32, #tpu.memory_space<hbm>> -> memref<16xf32, #tpu.memory_space<hbm>>
      %dma_wait3A_135 = tpu.memref_slice %arg5[%add3A_67] : memref<512xf32, #tpu.memory_space<hbm>> -> memref<16xf32, #tpu.memory_space<hbm>>
      tpu.wait_dma2 semaphore(%run_scoped3A : memref<!tpu.dma_semaphore, #tpu.memory_space<semaphore_mem>>) src(%dma_wait3A_135 : memref<16xf32, #tpu.memory_space<hbm>>) dst(%arg14 : memref<16xf32, #tpu.memory_space<vmem>>)
      tpu.yield
    }) : () -> ()
    "tpu.region"() ({
      %run_scoped3A = tpu.sem_alloc : memref<!tpu.dma_semaphore, #tpu.memory_space<semaphore_mem>>
      %dma_start3A = tpu.memref_slice %arg6[%add3A_67] : memref<512xf32, #tpu.memory_space<hbm>> -> memref<16xf32, #tpu.memory_space<hbm>>
      %dma_start3A_134 = tpu.memref_slice %arg6[%add3A_67] : memref<512xf32, #tpu.memory_space<hbm>> -> memref<16xf32, #tpu.memory_space<hbm>>
      tpu.enqueue_dma source(%dma_start3A_134 : memref<16xf32, #tpu.memory_space<hbm>>) target(%arg15 : memref<16xf32, #tpu.memory_space<vmem>>) target_semaphore(%run_scoped3A : memref<!tpu.dma_semaphore, #tpu.memory_space<semaphore_mem>>)
      %dma_wait3A = tpu.memref_slice %arg6[%add3A_67] : memref<512xf32, #tpu.memory_space<hbm>> -> memref<16xf32, #tpu.memory_space<hbm>>
      %dma_wait3A_135 = tpu.memref_slice %arg6[%add3A_67] : memref<512xf32, #tpu.memory_space<hbm>> -> memref<16xf32, #tpu.memory_space<hbm>>
      tpu.wait_dma2 semaphore(%run_scoped3A : memref<!tpu.dma_semaphore, #tpu.memory_space<semaphore_mem>>) src(%dma_wait3A_135 : memref<16xf32, #tpu.memory_space<hbm>>) dst(%arg15 : memref<16xf32, #tpu.memory_space<vmem>>)
      tpu.yield
    }) : () -> ()
    "tpu.region"() ({
      %run_scoped3A = tpu.sem_alloc : memref<!tpu.dma_semaphore, #tpu.memory_space<semaphore_mem>>
      %dma_start3A = tpu.memref_slice %arg7[%add3A_67] : memref<512xf32, #tpu.memory_space<hbm>> -> memref<16xf32, #tpu.memory_space<hbm>>
      %dma_start3A_134 = tpu.memref_slice %arg7[%add3A_67] : memref<512xf32, #tpu.memory_space<hbm>> -> memref<16xf32, #tpu.memory_space<hbm>>
      tpu.enqueue_dma source(%dma_start3A_134 : memref<16xf32, #tpu.memory_space<hbm>>) target(%arg16 : memref<16xf32, #tpu.memory_space<vmem>>) target_semaphore(%run_scoped3A : memref<!tpu.dma_semaphore, #tpu.memory_space<semaphore_mem>>)
      %dma_wait3A = tpu.memref_slice %arg7[%add3A_67] : memref<512xf32, #tpu.memory_space<hbm>> -> memref<16xf32, #tpu.memory_space<hbm>>
      %dma_wait3A_135 = tpu.memref_slice %arg7[%add3A_67] : memref<512xf32, #tpu.memory_space<hbm>> -> memref<16xf32, #tpu.memory_space<hbm>>
      tpu.wait_dma2 semaphore(%run_scoped3A : memref<!tpu.dma_semaphore, #tpu.memory_space<semaphore_mem>>) src(%dma_wait3A_135 : memref<16xf32, #tpu.memory_space<hbm>>) dst(%arg16 : memref<16xf32, #tpu.memory_space<vmem>>)
      tpu.yield
    }) : () -> ()
    "tpu.region"() ({
      %run_scoped3A = tpu.sem_alloc : memref<!tpu.dma_semaphore, #tpu.memory_space<semaphore_mem>>
      %dma_start3A = tpu.memref_slice %arg8[%add3A_67] : memref<512xf32, #tpu.memory_space<hbm>> -> memref<16xf32, #tpu.memory_space<hbm>>
      %dma_start3A_134 = tpu.memref_slice %arg8[%add3A_67] : memref<512xf32, #tpu.memory_space<hbm>> -> memref<16xf32, #tpu.memory_space<hbm>>
      tpu.enqueue_dma source(%dma_start3A_134 : memref<16xf32, #tpu.memory_space<hbm>>) target(%arg17 : memref<16xf32, #tpu.memory_space<vmem>>) target_semaphore(%run_scoped3A : memref<!tpu.dma_semaphore, #tpu.memory_space<semaphore_mem>>)
      %dma_wait3A = tpu.memref_slice %arg8[%add3A_67] : memref<512xf32, #tpu.memory_space<hbm>> -> memref<16xf32, #tpu.memory_space<hbm>>
      %dma_wait3A_135 = tpu.memref_slice %arg8[%add3A_67] : memref<512xf32, #tpu.memory_space<hbm>> -> memref<16xf32, #tpu.memory_space<hbm>>
      tpu.wait_dma2 semaphore(%run_scoped3A : memref<!tpu.dma_semaphore, #tpu.memory_space<semaphore_mem>>) src(%dma_wait3A_135 : memref<16xf32, #tpu.memory_space<hbm>>) dst(%arg17 : memref<16xf32, #tpu.memory_space<vmem>>)
      tpu.yield
    }) : () -> ()
    %get3A_68 = arith.constant 0 : index
    %get3A_69 = tpu.vector_load %arg13[%get3A_68] {strides = array<i32>} : memref<16xf32, #tpu.memory_space<vmem>>, vector<16xf32>,
    %get3A_70 = vector.shape_cast %get3A_69 : vector<16xf32> to vector<16xf32>
    %get3A_71 = arith.constant 0 : index
    %get3A_72 = tpu.vector_load %arg11[%get3A_71] {strides = array<i32>} : memref<16xf32, #tpu.memory_space<vmem>>, vector<16xf32>,
    %get3A_73 = vector.shape_cast %get3A_72 : vector<16xf32> to vector<16xf32>
    %sub3A_74 = arith.subf %get3A_70, %get3A_73 : vector<16xf32>
    %get3A_75 = arith.constant 0 : index
    %get3A_76 = tpu.vector_load %arg14[%get3A_75] {strides = array<i32>} : memref<16xf32, #tpu.memory_space<vmem>>, vector<16xf32>,
    %get3A_77 = vector.shape_cast %get3A_76 : vector<16xf32> to vector<16xf32>
    %get3A_78 = arith.constant 0 : index
    %get3A_79 = tpu.vector_load %arg12[%get3A_78] {strides = array<i32>} : memref<16xf32, #tpu.memory_space<vmem>>, vector<16xf32>,
    %get3A_80 = vector.shape_cast %get3A_79 : vector<16xf32> to vector<16xf32>
    %sub3A_81 = arith.subf %get3A_77, %get3A_80 : vector<16xf32>
    %get3A_82 = arith.constant 0 : index
    %get3A_83 = tpu.vector_load %arg15[%get3A_82] {strides = array<i32>} : memref<16xf32, #tpu.memory_space<vmem>>, vector<16xf32>,
    %get3A_84 = vector.shape_cast %get3A_83 : vector<16xf32> to vector<16xf32>
    %div3A_85 = arith.divf %sub3A_74, %get3A_84 : vector<16xf32>
    %get3A_86 = arith.constant 0 : index
    %get3A_87 = tpu.vector_load %arg16[%get3A_86] {strides = array<i32>} : memref<16xf32, #tpu.memory_space<vmem>>, vector<16xf32>,
    %get3A_88 = vector.shape_cast %get3A_87 : vector<16xf32> to vector<16xf32>
    %mul3A_89 = arith.mulf %get3A_88, %div3A_85 : vector<16xf32>
    %sub3A_90 = arith.subf %sub3A_81, %mul3A_89 : vector<16xf32>
    %get3A_91 = arith.constant 0 : index
    %get3A_92 = tpu.vector_load %arg17[%get3A_91] {strides = array<i32>} : memref<16xf32, #tpu.memory_space<vmem>>, vector<16xf32>,
    %get3A_93 = vector.shape_cast %get3A_92 : vector<16xf32> to vector<16xf32>
    %div3A_94 = arith.divf %sub3A_90, %get3A_93 : vector<16xf32>
    %mul3A_95 = arith.mulf %div3A_85, %div3A_85 : vector<16xf32>
    %mul3A_96 = arith.mulf %div3A_94, %div3A_94 : vector<16xf32>
    %add3A_97 = arith.addf %mul3A_95, %mul3A_96 : vector<16xf32>
    %mul3A_98 = arith.constant 5.000000e-01 : f32
    %mul3A_99 = vector.broadcast %mul3A_98 : f32 to vector<16xf32>
    %mul3A_100 = arith.mulf %mul3A_99, %add3A_97 : vector<16xf32>
    %abs3A_101 = math.absf %sub3A_74 : vector<16xf32>
    %abs3A_102 = math.absf %sub3A_81 : vector<16xf32>
    %lt3A_103 = arith.constant 1.000000e+00 : f32
    %lt3A_104 = vector.broadcast %lt3A_103 : f32 to vector<16xf32>
    %lt3A_105 = arith.cmpf olt, %abs3A_101, %lt3A_104 : vector<16xf32>
    %mul3A_106 = arith.constant 5.000000e-01 : f32
    %mul3A_107 = vector.broadcast %mul3A_106 : f32 to vector<16xf32>
    %mul3A_108 = arith.mulf %mul3A_107, %abs3A_101 : vector<16xf32>
    %mul3A_109 = arith.mulf %mul3A_108, %abs3A_101 : vector<16xf32>
    %sub3A_110 = arith.constant 5.000000e-01 : f32
    %sub3A_111 = vector.broadcast %sub3A_110 : f32 to vector<16xf32>
    %sub3A_112 = arith.subf %abs3A_101, %sub3A_111 : vector<16xf32>
    %select_n3A_113 = arith.select %lt3A_105, %mul3A_109, %sub3A_112 : vector<16xi1>, vector<16xf32>
    %lt3A_114 = arith.constant 1.000000e+00 : f32
    %lt3A_115 = vector.broadcast %lt3A_114 : f32 to vector<16xf32>
    %lt3A_116 = arith.cmpf olt, %abs3A_102, %lt3A_115 : vector<16xf32>
    %mul3A_117 = arith.constant 5.000000e-01 : f32
    %mul3A_118 = vector.broadcast %mul3A_117 : f32 to vector<16xf32>
    %mul3A_119 = arith.mulf %mul3A_118, %abs3A_102 : vector<16xf32>
    %mul3A_120 = arith.mulf %mul3A_119, %abs3A_102 : vector<16xf32>
    %sub3A_121 = arith.constant 5.000000e-01 : f32
    %sub3A_122 = vector.broadcast %sub3A_121 : f32 to vector<16xf32>
    %sub3A_123 = arith.subf %abs3A_102, %sub3A_122 : vector<16xf32>
    %select_n3A_124 = arith.select %lt3A_116, %mul3A_120, %sub3A_123 : vector<16xi1>, vector<16xf32>
    %add3A_125 = arith.addf %select_n3A_113, %select_n3A_124 : vector<16xf32>
    %swap3A_126 = arith.constant 0 : index
    %swap3A_127 = tpu.vector_load %arg18[%swap3A_126] {strides = array<i32>} : memref<16xf32, #tpu.memory_space<vmem>>, vector<16xf32>,
    %swap3A_128 = vector.shape_cast %swap3A_127 : vector<16xf32> to vector<16xf32>
    %swap3A_129 = vector.shape_cast %add3A_125 : vector<16xf32> to vector<16xf32>
    tpu.vector_store %arg18[%swap3A_126], %swap3A_129 {strides = array<i32>} : memref<16xf32, #tpu.memory_space<vmem>>, vector<16xf32>,
    %swap3A_130 = arith.constant 0 : index
    %swap3A_131 = tpu.vector_load %arg19[%swap3A_130] {strides = array<i32>} : memref<16xf32, #tpu.memory_space<vmem>>, vector<16xf32>,
    %swap3A_132 = vector.shape_cast %swap3A_131 : vector<16xf32> to vector<16xf32>
    %swap3A_133 = vector.shape_cast %mul3A_100 : vector<16xf32> to vector<16xf32>
    tpu.vector_store %arg19[%swap3A_130], %swap3A_133 {strides = array<i32>} : memref<16xf32, #tpu.memory_space<vmem>>, vector<16xf32>,
    "tpu.region"() ({
      %run_scoped3A = tpu.sem_alloc : memref<!tpu.dma_semaphore, #tpu.memory_space<semaphore_mem>>
      %dma_start3A = tpu.memref_slice %arg9[%add3A_67] : memref<512xf32, #tpu.memory_space<hbm>> -> memref<16xf32, #tpu.memory_space<hbm>>
      %dma_start3A_134 = tpu.memref_slice %arg9[%add3A_67] : memref<512xf32, #tpu.memory_space<hbm>> -> memref<16xf32, #tpu.memory_space<hbm>>
      tpu.enqueue_dma source(%arg18 : memref<16xf32, #tpu.memory_space<vmem>>) target(%dma_start3A_134 : memref<16xf32, #tpu.memory_space<hbm>>) target_semaphore(%run_scoped3A : memref<!tpu.dma_semaphore, #tpu.memory_space<semaphore_mem>>)
      %dma_wait3A = tpu.memref_slice %arg9[%add3A_67] : memref<512xf32, #tpu.memory_space<hbm>> -> memref<16xf32, #tpu.memory_space<hbm>>
      %dma_wait3A_135 = tpu.memref_slice %arg9[%add3A_67] : memref<512xf32, #tpu.memory_space<hbm>> -> memref<16xf32, #tpu.memory_space<hbm>>
      tpu.wait_dma2 semaphore(%run_scoped3A : memref<!tpu.dma_semaphore, #tpu.memory_space<semaphore_mem>>) src(%arg18 : memref<16xf32, #tpu.memory_space<vmem>>) dst(%dma_wait3A_135 : memref<16xf32, #tpu.memory_space<hbm>>)
      tpu.yield
    }) : () -> ()
    "tpu.region"() ({
      %run_scoped3A = tpu.sem_alloc : memref<!tpu.dma_semaphore, #tpu.memory_space<semaphore_mem>>
      %dma_start3A = tpu.memref_slice %arg10[%add3A_67] : memref<512xf32, #tpu.memory_space<hbm>> -> memref<16xf32, #tpu.memory_space<hbm>>
      %dma_start3A_134 = tpu.memref_slice %arg10[%add3A_67] : memref<512xf32, #tpu.memory_space<hbm>> -> memref<16xf32, #tpu.memory_space<hbm>>
      tpu.enqueue_dma source(%arg19 : memref<16xf32, #tpu.memory_space<vmem>>) target(%dma_start3A_134 : memref<16xf32, #tpu.memory_space<hbm>>) target_semaphore(%run_scoped3A : memref<!tpu.dma_semaphore, #tpu.memory_space<semaphore_mem>>)
      %dma_wait3A = tpu.memref_slice %arg10[%add3A_67] : memref<512xf32, #tpu.memory_space<hbm>> -> memref<16xf32, #tpu.memory_space<hbm>>
      %dma_wait3A_135 = tpu.memref_slice %arg10[%add3A_67] : memref<512xf32, #tpu.memory_space<hbm>> -> memref<16xf32, #tpu.memory_space<hbm>>
      tpu.wait_dma2 semaphore(%run_scoped3A : memref<!tpu.dma_semaphore, #tpu.memory_space<semaphore_mem>>) src(%arg19 : memref<16xf32, #tpu.memory_space<vmem>>) dst(%dma_wait3A_135 : memref<16xf32, #tpu.memory_space<hbm>>)
      tpu.yield
    }) : () -> ()
    return
  }
}

module attributes {stable_mosaic.version = 14 : i64} {
  func.func @_final_kernel(%arg0: memref<8x512xf32, #tpu.memory_space<vmem>>, %arg1: memref<4x128xf32, #tpu.memory_space<vmem>>, %arg2: memref<4x128xf32, #tpu.memory_space<vmem>>, %arg3: memref<4x128xf32, #tpu.memory_space<vmem>>, %arg4: memref<4x128xf32, #tpu.memory_space<vmem>>, %arg5: memref<1x512xf32, #tpu.memory_space<vmem>>, %arg6: memref<1x512xf32, #tpu.memory_space<vmem>>, %arg7: memref<1x1xf32, #tpu.memory_space<vmem>>) attributes {dimension_semantics = [], scalar_prefetch = 0 : i64, scratch_operands = 0 : i64, tpu.core_type = #tpu.core_type<tc>} {
    %get3A = arith.constant 0 : index
    %get3A_0 = arith.constant 0 : index
    %get3A_1 = vector.load %arg1[%get3A, %get3A_0] : memref<4x128xf32, #tpu.memory_space<vmem>>, vector<4x128xf32>
    %reshape3A = vector.shape_cast %get3A_1 : vector<4x128xf32> to vector<1x512xf32>
    %reduce_sum3A = arith.constant dense<0.000000e+00> : vector<1xf32>
    %reduce_sum3A_2 = vector.multi_reduction <add>, %reshape3A, %reduce_sum3A [1] : vector<1x512xf32> to vector<1xf32>
    %broadcast_in_dim3A = vector.shape_cast %reduce_sum3A_2 : vector<1xf32> to vector<1x1xf32>
    %div3A = arith.constant 0x4B000000 : f32
    %div3A_3 = vector.broadcast %div3A : f32 to vector<1x1xf32>
    %div3A_4 = arith.divf %broadcast_in_dim3A, %div3A_3 : vector<1x1xf32>
    %get3A_5 = arith.constant 0 : index
    %get3A_6 = arith.constant 0 : index
    %get3A_7 = vector.load %arg2[%get3A_5, %get3A_6] : memref<4x128xf32, #tpu.memory_space<vmem>>, vector<4x128xf32>
    %get3A_8 = arith.constant 0 : index
    %get3A_9 = arith.constant 0 : index
    %get3A_10 = vector.load %arg3[%get3A_8, %get3A_9] : memref<4x128xf32, #tpu.memory_space<vmem>>, vector<4x128xf32>
    %get3A_11 = arith.constant 0 : index
    %get3A_12 = arith.constant 0 : index
    %get3A_13 = vector.load %arg4[%get3A_11, %get3A_12] : memref<4x128xf32, #tpu.memory_space<vmem>>, vector<4x128xf32>
    %mul3A = arith.constant 2.000000e+00 : f32
    %mul3A_14 = vector.broadcast %mul3A : f32 to vector<4x128xf32>
    %mul3A_15 = arith.mulf %mul3A_14, %get3A_13 : vector<4x128xf32>
    %add3A = arith.constant 1.000000e+00 : f32
    %add3A_16 = vector.broadcast %add3A : f32 to vector<4x128xf32>
    %add3A_17 = arith.addf %mul3A_15, %add3A_16 : vector<4x128xf32>
    %add3A_18 = arith.addf %get3A_7, %get3A_10 : vector<4x128xf32>
    %add3A_19 = arith.constant 1.000000e+00 : f32
    %add3A_20 = vector.broadcast %add3A_19 : f32 to vector<4x128xf32>
    %add3A_21 = arith.addf %add3A_18, %add3A_20 : vector<4x128xf32>
    %div3A_22 = arith.divf %add3A_17, %add3A_21 : vector<4x128xf32>
    %sub3A = arith.constant 1.000000e+00 : f32
    %sub3A_23 = vector.broadcast %sub3A : f32 to vector<4x128xf32>
    %sub3A_24 = arith.subf %sub3A_23, %div3A_22 : vector<4x128xf32>
    %reshape3A_25 = vector.shape_cast %sub3A_24 : vector<4x128xf32> to vector<1x512xf32>
    %reduce_sum3A_26 = arith.constant dense<0.000000e+00> : vector<1xf32>
    %reduce_sum3A_27 = vector.multi_reduction <add>, %reshape3A_25, %reduce_sum3A_26 [1] : vector<1x512xf32> to vector<1xf32>
    %broadcast_in_dim3A_28 = vector.shape_cast %reduce_sum3A_27 : vector<1xf32> to vector<1x1xf32>
    %div3A_29 = arith.constant 5.120000e+02 : f32
    %div3A_30 = vector.broadcast %div3A_29 : f32 to vector<1x1xf32>
    %div3A_31 = arith.divf %broadcast_in_dim3A_28, %div3A_30 : vector<1x1xf32>
    %get3A_32 = arith.constant 0 : index
    %get3A_33 = arith.constant 0 : index
    %get3A_34 = vector.load %arg0[%get3A_32, %get3A_33] : memref<8x512xf32, #tpu.memory_space<vmem>>, vector<8x512xf32>
    %slice3A = vector.extract_strided_slice %get3A_34 {offsets = [4, 0], sizes = [1, 512], strides = [1, 1]} : vector<8x512xf32> to vector<1x512xf32>
    %slice3A_35 = vector.extract_strided_slice %get3A_34 {offsets = [6, 0], sizes = [1, 512], strides = [1, 1]} : vector<8x512xf32> to vector<1x512xf32>
    %slice3A_36 = vector.extract_strided_slice %get3A_34 {offsets = [7, 0], sizes = [1, 512], strides = [1, 1]} : vector<8x512xf32> to vector<1x512xf32>
    %max3A = arith.constant 0.000000e+00 : f32
    %max3A_37 = vector.broadcast %max3A : f32 to vector<1x512xf32>
    %max3A_38 = arith.maximumf %slice3A_36, %max3A_37 : vector<1x512xf32>
    %sub3A_39 = arith.subf %max3A_38, %slice3A_36 : vector<1x512xf32>
    %abs3A = math.absf %slice3A_36 : vector<1x512xf32>
    %neg3A = arith.constant 0.000000e+00 : f32
    %neg3A_40 = vector.broadcast %neg3A : f32 to vector<1x512xf32>
    %neg3A_41 = arith.subf %neg3A_40, %abs3A : vector<1x512xf32>
    %exp3A = math.exp %neg3A_41 : vector<1x512xf32>
    %log1p3A = math.log1p %exp3A : vector<1x512xf32>
    %add3A_42 = arith.addf %sub3A_39, %log1p3A : vector<1x512xf32>
    %reduce_sum3A_43 = arith.constant dense<0.000000e+00> : vector<1xf32>
    %reduce_sum3A_44 = vector.multi_reduction <add>, %add3A_42, %reduce_sum3A_43 [1] : vector<1x512xf32> to vector<1xf32>
    %broadcast_in_dim3A_45 = vector.shape_cast %reduce_sum3A_44 : vector<1xf32> to vector<1x1xf32>
    %div3A_46 = arith.constant 5.120000e+02 : f32
    %div3A_47 = vector.broadcast %div3A_46 : f32 to vector<1x1xf32>
    %div3A_48 = arith.divf %broadcast_in_dim3A_45, %div3A_47 : vector<1x1xf32>
    %get3A_49 = arith.constant 0 : index
    %get3A_50 = arith.constant 0 : index
    %get3A_51 = vector.load %arg6[%get3A_49, %get3A_50] : memref<1x512xf32, #tpu.memory_space<vmem>>, vector<1x512xf32>
    %reduce_sum3A_52 = arith.constant dense<0.000000e+00> : vector<1xf32>
    %reduce_sum3A_53 = vector.multi_reduction <add>, %get3A_51, %reduce_sum3A_52 [1] : vector<1x512xf32> to vector<1xf32>
    %broadcast_in_dim3A_54 = vector.shape_cast %reduce_sum3A_53 : vector<1xf32> to vector<1x1xf32>
    %div3A_55 = arith.constant 5.120000e+02 : f32
    %div3A_56 = vector.broadcast %div3A_55 : f32 to vector<1x1xf32>
    %div3A_57 = arith.divf %broadcast_in_dim3A_54, %div3A_56 : vector<1x1xf32>
    %abs3A_58 = math.absf %slice3A : vector<1x512xf32>
    %log3A = math.log %abs3A_58 : vector<1x512xf32>
    %abs3A_59 = math.absf %slice3A_35 : vector<1x512xf32>
    %log3A_60 = math.log %abs3A_59 : vector<1x512xf32>
    %add3A_61 = arith.addf %log3A, %log3A_60 : vector<1x512xf32>
    %reduce_sum3A_62 = arith.constant dense<0.000000e+00> : vector<1xf32>
    %reduce_sum3A_63 = vector.multi_reduction <add>, %add3A_61, %reduce_sum3A_62 [1] : vector<1x512xf32> to vector<1xf32>
    %broadcast_in_dim3A_64 = vector.shape_cast %reduce_sum3A_63 : vector<1xf32> to vector<1x1xf32>
    %div3A_65 = arith.constant 5.120000e+02 : f32
    %div3A_66 = vector.broadcast %div3A_65 : f32 to vector<1x1xf32>
    %div3A_67 = arith.divf %broadcast_in_dim3A_64, %div3A_66 : vector<1x1xf32>
    %add3A_68 = arith.addf %div3A_57, %div3A_67 : vector<1x1xf32>
    %add3A_69 = arith.constant 1.83787704 : f32
    %add3A_70 = vector.broadcast %add3A_69 : f32 to vector<1x1xf32>
    %add3A_71 = arith.addf %add3A_68, %add3A_70 : vector<1x1xf32>
    %get3A_72 = arith.constant 0 : index
    %get3A_73 = arith.constant 0 : index
    %get3A_74 = vector.load %arg5[%get3A_72, %get3A_73] : memref<1x512xf32, #tpu.memory_space<vmem>>, vector<1x512xf32>
    %reduce_sum3A_75 = arith.constant dense<0.000000e+00> : vector<1xf32>
    %reduce_sum3A_76 = vector.multi_reduction <add>, %get3A_74, %reduce_sum3A_75 [1] : vector<1x512xf32> to vector<1xf32>
    %broadcast_in_dim3A_77 = vector.shape_cast %reduce_sum3A_76 : vector<1xf32> to vector<1x1xf32>
    %div3A_78 = arith.constant 1.024000e+03 : f32
    %div3A_79 = vector.broadcast %div3A_78 : f32 to vector<1x1xf32>
    %div3A_80 = arith.divf %broadcast_in_dim3A_77, %div3A_79 : vector<1x1xf32>
    %add3A_81 = arith.addf %div3A_48, %div3A_4 : vector<1x1xf32>
    %add3A_82 = arith.addf %add3A_81, %div3A_31 : vector<1x1xf32>
    %add3A_83 = arith.addf %add3A_82, %add3A_71 : vector<1x1xf32>
    %add3A_84 = arith.addf %add3A_83, %div3A_80 : vector<1x1xf32>
    %swap3A = arith.constant 0 : index
    %swap3A_85 = arith.constant 0 : index
    %swap3A_86 = vector.load %arg7[%swap3A, %swap3A_85] : memref<1x1xf32, #tpu.memory_space<vmem>>, vector<1x1xf32>
    tpu.vector_store %arg7[%swap3A, %swap3A_85], %add3A_84 {strides = array<i32>} : memref<1x1xf32, #tpu.memory_space<vmem>>, vector<1x1xf32>,
    return
  }
}

module attributes {stable_mosaic.version = 14 : i64} {
  func.func @_dense_kernel(%arg0: i32, %arg1: i32, %arg2: memref<8192x128xf32, #tpu.memory_space<vmem>>, %arg3: memref<8192x128xf32, #tpu.memory_space<vmem>>, %arg4: memref<1x1x128xf32, #tpu.memory_space<vmem>>, %arg5: memref<1x1x128xf32, #tpu.memory_space<vmem>>, %arg6: memref<1x1x128xf32, #tpu.memory_space<vmem>>, %arg7: memref<1x1x128xf32, #tpu.memory_space<vmem>>) attributes {dimension_semantics = [#tpu.dimension_semantics<parallel>, #tpu.dimension_semantics<arbitrary>], iteration_bounds = array<i64: 4, 2>, scalar_prefetch = 0 : i64, scratch_operands = 0 : i64, tpu.core_type = #tpu.core_type<tc>, window_params = [{transform_indices = @transform_0, window_bounds = array<i64: 8192, 128>}, {transform_indices = @transform_1, window_bounds = array<i64: 8192, 128>}, {transform_indices = @transform_2, window_bounds = array<i64: 1, 1, 128>}, {transform_indices = @transform_3, window_bounds = array<i64: 1, 1, 128>}, {transform_indices = @transform_4, window_bounds = array<i64: 1, 1, 128>}, {transform_indices = @transform_5, window_bounds = array<i64: 1, 1, 128>}]} {
    %get3A = arith.constant 0 : index
    %get3A_0 = arith.constant 0 : index
    %get3A_1 = vector.load %arg2[%get3A, %get3A_0] : memref<8192x128xf32, #tpu.memory_space<vmem>>, vector<8192x128xf32>
    %convert_element_type3A = arith.truncf %get3A_1 : vector<8192x128xf32> to vector<8192x128xbf16>
    %get3A_2 = arith.constant 0 : index
    %get3A_3 = arith.constant 0 : index
    %get3A_4 = vector.load %arg3[%get3A_2, %get3A_3] : memref<8192x128xf32, #tpu.memory_space<vmem>>, vector<8192x128xf32>
    %convert_element_type3A_5 = arith.truncf %get3A_4 : vector<8192x128xf32> to vector<8192x128xbf16>
    %neg3A = arith.constant 0.000000e+00 : bf16
    %neg3A_6 = vector.broadcast %neg3A : bf16 to vector<8192x128xbf16>
    %neg3A_7 = arith.subf %neg3A_6, %convert_element_type3A : vector<8192x128xbf16>
    %min3A = arith.minimumf %convert_element_type3A, %neg3A_7 : vector<8192x128xbf16>
    %exp3A = math.exp %min3A : vector<8192x128xbf16>
    %add3A = arith.constant 1.000000e+00 : bf16
    %add3A_8 = vector.broadcast %add3A : bf16 to vector<8192x128xbf16>
    %add3A_9 = arith.addf %add3A_8, %exp3A : vector<8192x128xbf16>
    %gt3A = arith.constant 0.000000e+00 : bf16
    %gt3A_10 = vector.broadcast %gt3A : bf16 to vector<8192x128xbf16>
    %gt3A_11 = arith.cmpf ogt, %convert_element_type3A_5, %gt3A_10 : vector<8192x128xbf16>
    %select_n3A = arith.select %gt3A_11, %neg3A_7, %convert_element_type3A : vector<8192x128xi1>, vector<8192x128xbf16>
    %max3A = arith.constant 0.000000e+00 : bf16
    %max3A_12 = vector.broadcast %max3A : bf16 to vector<8192x128xbf16>
    %max3A_13 = arith.maximumf %select_n3A, %max3A_12 : vector<8192x128xbf16>
    %log3A = math.log %add3A_9 : vector<8192x128xbf16>
    %add3A_14 = arith.addf %max3A_13, %log3A : vector<8192x128xbf16>
    %div3A = arith.constant 1.000000e+00 : bf16
    %div3A_15 = vector.broadcast %div3A : bf16 to vector<8192x128xbf16>
    %div3A_16 = arith.divf %div3A_15, %add3A_9 : vector<8192x128xbf16>
    %ge3A = arith.constant 0.000000e+00 : bf16
    %ge3A_17 = vector.broadcast %ge3A : bf16 to vector<8192x128xbf16>
    %ge3A_18 = arith.cmpf oge, %convert_element_type3A, %ge3A_17 : vector<8192x128xbf16>
    %mul3A = arith.mulf %exp3A, %div3A_16 : vector<8192x128xbf16>
    %select_n3A_19 = arith.select %ge3A_18, %div3A_16, %mul3A : vector<8192x128xi1>, vector<8192x128xbf16>
    %gt3A_20 = arith.constant 0.000000e+00 : bf16
    %gt3A_21 = vector.broadcast %gt3A_20 : bf16 to vector<8192x128xbf16>
    %gt3A_22 = arith.cmpf ogt, %convert_element_type3A_5, %gt3A_21 : vector<8192x128xbf16>
    %jit3A = arith.constant 0.000000e+00 : bf16
    %broadcast_in_dim3A = vector.broadcast %jit3A : bf16 to vector<8192x128xbf16>
    %select_n3A_23 = arith.select %gt3A_22, %select_n3A_19, %broadcast_in_dim3A : vector<8192x128xi1>, vector<8192x128xbf16>
    %broadcast_in_dim3A_24 = arith.constant 1.000000e+00 : bf16
    %broadcast_in_dim3A_25 = vector.broadcast %broadcast_in_dim3A_24 : bf16 to vector<1x8192xbf16>
    %dot_general3A = arith.constant dense<0.000000e+00> : vector<1x128xf32>
    %dot_general3A_26 = tpu.matmul %broadcast_in_dim3A_25, %add3A_14, %dot_general3A {dimension_numbers = #tpu.dot_dimension_numbers<[1], [0], [0], [1], [0, 0, 1, 1], [], []>, transpose_lhs_hint = false} : vector<1x8192xbf16>, vector<8192x128xbf16>, vector<1x128xf32> -> vector<1x128xf32>
    %reshape3A = vector.shape_cast %dot_general3A_26 : vector<1x128xf32> to vector<1x1x128xf32>
    %dot_general3A_27 = arith.constant dense<0.000000e+00> : vector<1x128xf32>
    %dot_general3A_28 = tpu.matmul %broadcast_in_dim3A_25, %select_n3A_19, %dot_general3A_27 {dimension_numbers = #tpu.dot_dimension_numbers<[1], [0], [0], [1], [0, 0, 1, 1], [], []>, transpose_lhs_hint = false} : vector<1x8192xbf16>, vector<8192x128xbf16>, vector<1x128xf32> -> vector<1x128xf32>
    %reshape3A_29 = vector.shape_cast %dot_general3A_28 : vector<1x128xf32> to vector<1x1x128xf32>
    %dot_general3A_30 = arith.constant dense<0.000000e+00> : vector<1x128xf32>
    %dot_general3A_31 = tpu.matmul %broadcast_in_dim3A_25, %convert_element_type3A_5, %dot_general3A_30 {dimension_numbers = #tpu.dot_dimension_numbers<[1], [0], [0], [1], [0, 0, 1, 1], [], []>, transpose_lhs_hint = false} : vector<1x8192xbf16>, vector<8192x128xbf16>, vector<1x128xf32> -> vector<1x128xf32>
    %reshape3A_32 = vector.shape_cast %dot_general3A_31 : vector<1x128xf32> to vector<1x1x128xf32>
    %dot_general3A_33 = arith.constant dense<0.000000e+00> : vector<1x128xf32>
    %dot_general3A_34 = tpu.matmul %broadcast_in_dim3A_25, %select_n3A_23, %dot_general3A_33 {dimension_numbers = #tpu.dot_dimension_numbers<[1], [0], [0], [1], [0, 0, 1, 1], [], []>, transpose_lhs_hint = false} : vector<1x8192xbf16>, vector<8192x128xbf16>, vector<1x128xf32> -> vector<1x128xf32>
    %reshape3A_35 = vector.shape_cast %dot_general3A_34 : vector<1x128xf32> to vector<1x1x128xf32>
    %eq3A = arith.constant 0 : i32
    %eq3A_36 = arith.cmpi eq, %arg1, %eq3A : i32
    %convert_element_type3A_37 = arith.extui %eq3A_36 : i1 to i32
    %cond3A = arith.constant 0 : i32
    %cond3A_38 = arith.cmpi ne, %convert_element_type3A_37, %cond3A : i32
    scf.if %cond3A_38 {
      %swap3A = arith.constant 0 : index
      %swap3A_43 = arith.constant 0 : index
      %swap3A_44 = arith.constant 0 : index
      %swap3A_45 = vector.load %arg4[%swap3A, %swap3A_43, %swap3A_44] : memref<1x1x128xf32, #tpu.memory_space<vmem>>, vector<1x1x128xf32>
      tpu.vector_store %arg4[%swap3A, %swap3A_43, %swap3A_44], %reshape3A {strides = array<i32>} : memref<1x1x128xf32, #tpu.memory_space<vmem>>, vector<1x1x128xf32>,
      %swap3A_46 = arith.constant 0 : index
      %swap3A_47 = arith.constant 0 : index
      %swap3A_48 = arith.constant 0 : index
      %swap3A_49 = vector.load %arg5[%swap3A_46, %swap3A_47, %swap3A_48] : memref<1x1x128xf32, #tpu.memory_space<vmem>>, vector<1x1x128xf32>
      tpu.vector_store %arg5[%swap3A_46, %swap3A_47, %swap3A_48], %reshape3A_29 {strides = array<i32>} : memref<1x1x128xf32, #tpu.memory_space<vmem>>, vector<1x1x128xf32>,
      %swap3A_50 = arith.constant 0 : index
      %swap3A_51 = arith.constant 0 : index
      %swap3A_52 = arith.constant 0 : index
      %swap3A_53 = vector.load %arg6[%swap3A_50, %swap3A_51, %swap3A_52] : memref<1x1x128xf32, #tpu.memory_space<vmem>>, vector<1x1x128xf32>
      tpu.vector_store %arg6[%swap3A_50, %swap3A_51, %swap3A_52], %reshape3A_32 {strides = array<i32>} : memref<1x1x128xf32, #tpu.memory_space<vmem>>, vector<1x1x128xf32>,
      %swap3A_54 = arith.constant 0 : index
      %swap3A_55 = arith.constant 0 : index
      %swap3A_56 = arith.constant 0 : index
      %swap3A_57 = vector.load %arg7[%swap3A_54, %swap3A_55, %swap3A_56] : memref<1x1x128xf32, #tpu.memory_space<vmem>>, vector<1x1x128xf32>
      tpu.vector_store %arg7[%swap3A_54, %swap3A_55, %swap3A_56], %reshape3A_35 {strides = array<i32>} : memref<1x1x128xf32, #tpu.memory_space<vmem>>, vector<1x1x128xf32>,
    } else {
    }
    %ne3A = arith.constant 0 : i32
    %ne3A_39 = arith.cmpi ne, %arg1, %ne3A : i32
    %convert_element_type3A_40 = arith.extui %ne3A_39 : i1 to i32
    %cond3A_41 = arith.constant 0 : i32
    %cond3A_42 = arith.cmpi ne, %convert_element_type3A_40, %cond3A_41 : i32
    scf.if %cond3A_42 {
      %get3A_43 = arith.constant 0 : index
      %get3A_44 = arith.constant 0 : index
      %get3A_45 = arith.constant 0 : index
      %get3A_46 = vector.load %arg4[%get3A_43, %get3A_44, %get3A_45] : memref<1x1x128xf32, #tpu.memory_space<vmem>>, vector<1x1x128xf32>
      %add3A_47 = arith.addf %get3A_46, %reshape3A : vector<1x1x128xf32>
      %swap3A = arith.constant 0 : index
      %swap3A_48 = arith.constant 0 : index
      %swap3A_49 = arith.constant 0 : index
      %swap3A_50 = vector.load %arg4[%swap3A, %swap3A_48, %swap3A_49] : memref<1x1x128xf32, #tpu.memory_space<vmem>>, vector<1x1x128xf32>
      tpu.vector_store %arg4[%swap3A, %swap3A_48, %swap3A_49], %add3A_47 {strides = array<i32>} : memref<1x1x128xf32, #tpu.memory_space<vmem>>, vector<1x1x128xf32>,
      %get3A_51 = arith.constant 0 : index
      %get3A_52 = arith.constant 0 : index
      %get3A_53 = arith.constant 0 : index
      %get3A_54 = vector.load %arg5[%get3A_51, %get3A_52, %get3A_53] : memref<1x1x128xf32, #tpu.memory_space<vmem>>, vector<1x1x128xf32>
      %add3A_55 = arith.addf %get3A_54, %reshape3A_29 : vector<1x1x128xf32>
      %swap3A_56 = arith.constant 0 : index
      %swap3A_57 = arith.constant 0 : index
      %swap3A_58 = arith.constant 0 : index
      %swap3A_59 = vector.load %arg5[%swap3A_56, %swap3A_57, %swap3A_58] : memref<1x1x128xf32, #tpu.memory_space<vmem>>, vector<1x1x128xf32>
      tpu.vector_store %arg5[%swap3A_56, %swap3A_57, %swap3A_58], %add3A_55 {strides = array<i32>} : memref<1x1x128xf32, #tpu.memory_space<vmem>>, vector<1x1x128xf32>,
      %get3A_60 = arith.constant 0 : index
      %get3A_61 = arith.constant 0 : index
      %get3A_62 = arith.constant 0 : index
      %get3A_63 = vector.load %arg6[%get3A_60, %get3A_61, %get3A_62] : memref<1x1x128xf32, #tpu.memory_space<vmem>>, vector<1x1x128xf32>
      %add3A_64 = arith.addf %get3A_63, %reshape3A_32 : vector<1x1x128xf32>
      %swap3A_65 = arith.constant 0 : index
      %swap3A_66 = arith.constant 0 : index
      %swap3A_67 = arith.constant 0 : index
      %swap3A_68 = vector.load %arg6[%swap3A_65, %swap3A_66, %swap3A_67] : memref<1x1x128xf32, #tpu.memory_space<vmem>>, vector<1x1x128xf32>
      tpu.vector_store %arg6[%swap3A_65, %swap3A_66, %swap3A_67], %add3A_64 {strides = array<i32>} : memref<1x1x128xf32, #tpu.memory_space<vmem>>, vector<1x1x128xf32>,
      %get3A_69 = arith.constant 0 : index
      %get3A_70 = arith.constant 0 : index
      %get3A_71 = arith.constant 0 : index
      %get3A_72 = vector.load %arg7[%get3A_69, %get3A_70, %get3A_71] : memref<1x1x128xf32, #tpu.memory_space<vmem>>, vector<1x1x128xf32>
      %add3A_73 = arith.addf %get3A_72, %reshape3A_35 : vector<1x1x128xf32>
      %swap3A_74 = arith.constant 0 : index
      %swap3A_75 = arith.constant 0 : index
      %swap3A_76 = arith.constant 0 : index
      %swap3A_77 = vector.load %arg7[%swap3A_74, %swap3A_75, %swap3A_76] : memref<1x1x128xf32, #tpu.memory_space<vmem>>, vector<1x1x128xf32>
      tpu.vector_store %arg7[%swap3A_74, %swap3A_75, %swap3A_76], %add3A_73 {strides = array<i32>} : memref<1x1x128xf32, #tpu.memory_space<vmem>>, vector<1x1x128xf32>,
    } else {
    }
    return
  }
  func.func @transform_0(%arg0: i32, %arg1: i32) -> (i32, i32) {
    %mul3A = arith.constant 2 : i32
    %mul3A_0 = arith.muli %arg0, %mul3A : i32
    %add3A = arith.addi %mul3A_0, %arg1 : i32
    %c0_i32 = arith.constant 0 : i32
    %c0_i32_1 = arith.constant 0 : i32
    return %add3A, %c0_i32 : i32, i32
  }
  func.func @transform_1(%arg0: i32, %arg1: i32) -> (i32, i32) {
    %mul3A = arith.constant 2 : i32
    %mul3A_0 = arith.muli %arg0, %mul3A : i32
    %add3A = arith.addi %mul3A_0, %arg1 : i32
    %c0_i32 = arith.constant 0 : i32
    %c0_i32_1 = arith.constant 0 : i32
    return %add3A, %c0_i32 : i32, i32
  }
  func.func @transform_2(%arg0: i32, %arg1: i32) -> (i32, i32, i32) {
    %c0_i32 = arith.constant 0 : i32
    %c0_i32_0 = arith.constant 0 : i32
    %c0_i32_1 = arith.constant 0 : i32
    return %arg0, %c0_i32, %c0_i32_0 : i32, i32, i32
  }
  func.func @transform_3(%arg0: i32, %arg1: i32) -> (i32, i32, i32) {
    %c0_i32 = arith.constant 0 : i32
    %c0_i32_0 = arith.constant 0 : i32
    %c0_i32_1 = arith.constant 0 : i32
    return %arg0, %c0_i32, %c0_i32_0 : i32, i32, i32
  }
  func.func @transform_4(%arg0: i32, %arg1: i32) -> (i32, i32, i32) {
    %c0_i32 = arith.constant 0 : i32
    %c0_i32_0 = arith.constant 0 : i32
    %c0_i32_1 = arith.constant 0 : i32
    return %arg0, %c0_i32, %c0_i32_0 : i32, i32, i32
  }
  func.func @transform_5(%arg0: i32, %arg1: i32) -> (i32, i32, i32) {
    %c0_i32 = arith.constant 0 : i32
    %c0_i32_0 = arith.constant 0 : i32
    %c0_i32_1 = arith.constant 0 : i32
    return %arg0, %c0_i32, %c0_i32_0 : i32, i32, i32
  }
}

</mosaic_0001>

<sc_bundles>
// kernel: _run.5.cloned.1.call-start
scs
__scs_entry_jumppad:
0x0: {  	(pc) =	sbr.rel $0x88, $3  }
0x1: {  	(tag) =	ssettag $0x0;
	lr =	simm.s32 $0x1  }
0x2: {  	[smem:$0x3F9E] =	sst lr;
	_ =	strace $0xD0000000  }
0x3: {  	_ = 	snop  }
0x4: {  	_ = 	snop  }
0x5: {  	_ = 	snop  }
0x6: {  	_ = 	snop  }
0x7: {  	_ = 	snop  }
__scs_overlays_trampoline_lowered:
0x8: {  	[smem:$0x3FAD] =	sst s0  }
0x9: {  	[smem:$0x3FAE] =	sst s1  }
0xa: {  	[smem:$0x3FAF] =	sst s2  }
0xb: {  	[smem:$0x3FB0] =	sst s3  }
0xc: {  	[smem:$0x3FB1] =	sst s4  }
0xd: {  	[smem:$0x3FB2] =	sst s5  }
0xe: {  	[smem:$0x3FB3] =	sst s6  }
0xf: {  	[smem:$0x3FB4] =	sst s7  }
0x10: {  	[smem:$0x3FB5] =	sst s8  }
0x11: {  	[smem:$0x3FB6] =	sst s9;
	s0 =	simm.s32 @!p0 $0x0  }
0x12: {  	s1 =	sld [smem:$0x3F9C];
	s0 =	simm.s32 @p0 $0x1  }
0x13: {  	[smem:$0x3FB7] =	sst s0;
	s0 =	simm.s32 @!p1 $0x0  }
0x14: {  	s2 =	sld [smem:$0x3F9B];
	s0 =	simm.s32 @p1 $0x1  }
0x15: {  	[smem:$0x3FB8] =	sst s0;
	s0 =	simm.s32 @!p2 $0x0  }
0x16: {  	s3 =	sld [smem:$0x3FDB];
	s0 =	simm.s32 @p2 $0x1  }
0x17: {  	s4 =	simm.s32 $0x1BF5;
	[smem:$0x3FBA] =	sst s0  }
0x18: {  	s0 =	sld [smem:$0x3F9D];
	_ =	swait.ge [sflag:s4], $0x0  }
0x19: {  	s7 =	sld [smem:$0x3F9E]  }
0x1a: {  	s8 =	sadd.s32 $0xFFFFE003, lr  }
0x1b: {  	s9 =	sadd.s32 $0xFFFFFEF7, lr;
	s5 =	simm.s32 $0xFFFFFFFF;
	p2 =	slt.u32 s8, $0xFFFFF086  }
0x1c: {  	p1 =	slt.u32 s9, $0xF7A;
	s5 =	simm.s32 @!p2 $0x0  }
0x1d: {  	s5 =	simm.s32 @p1 $0x1;
	p0 =	seq.s32 s7, s2  }
0x1e: {  	s7 =	smul.u32 @!p0 $0xF7A, s2;
	p2 =	seq.s32 @!p0 s5, $0x0  }
0x1f: {  	s9 =	smul.u32 $0xF7A, s1;
	s8 =	simm.s32 @!p0 $0x1BF5;
	p2 =	por !p2, p0  }
0x20: {  	[sflag:s8] =	ssyncset.s32 @!p0 $0xFFFFF086;
	s6 =	sadd.s32 @!p0 s3, s7;
	s7 =	simm.s32 @!p0 $0x108  }
0x21: {  	s3 =	sadd.s32 s3, s9;
	s6 =	sadd.s32 @!p0 $0x88, s6;
	s7 =	simm.s32 @p2 $0x1082  }
0x22: {  	[simem:s7], [sflag:s8] =	dma.local @!p0 [hbm:s6], $0xF7A  }
0x23: {  	s9 =	sor.u32 $0xD0000000, s2;
	s6 =	simm.s32 $0x108;
	_ =	swait.ge @!p0 [sflag:s8], $0x0  }
0x24: {  	s3 =	sadd.s32 $0x88, s3;
	s6 =	simm.s32 @!p1 $0x1082;
	[sflag:s4] =	ssyncset.s32 $0xFFFFF086  }
0x25: {  	[simem:s6], [sflag:s4] =	dma.local [hbm:s3], $0xF7A  }
0x26: {  	[smem:$0x3F9E] =	sst s1;
	(tag) =	ssettag s2;
	_ =	strace s9  }
0x27: {  	s1 =	sld [smem:$0x3FAE]  }
0x28: {  	s2 =	sld [smem:$0x3FAF]  }
0x29: {  	s4 =	sld [smem:$0x3FB1]  }
0x2a: {  	p0 =	seq.s32 s5, $0x0;
	s5 =	sld [smem:$0x3FB2]  }
0x2b: {  	s6 =	sld [smem:$0x3FB3]  }
0x2c: {  	s7 =	sld [smem:$0x3FB4]  }
0x2d: {  	s3 =	simm.s32 $0x108;
	s8 =	sld [smem:$0x3FB5]  }
0x2e: {  	s3 =	simm.s32 @!p0 $0x1082;
	s9 =	sld [smem:$0x3FB6]  }
0x2f: {  	lr =	sadd.s32 s0, s3;
	s0 =	sld [smem:$0x3FAD]  }
0x30: {  	s3 =	sld [smem:$0x3FB0]  }
0x31: {  	[smem:$0x3FB9] =	sst s10  }
0x32: {  	s10 =	sld [smem:$0x3FB7];
	_ =	sdelay $0x3  }
0x33: {  	p0 =	seq.s32 s10, $0x1;
	s10 =	sld [smem:$0x3FB9];
	_ =	sdelay $0x3  }
0x34: {  	[smem:$0x3FB9] =	sst s10  }
0x35: {  	s10 =	sld [smem:$0x3FB8];
	_ =	sdelay $0x3  }
0x36: {  	p1 =	seq.s32 s10, $0x1;
	s10 =	sld [smem:$0x3FB9];
	_ =	sdelay $0x3  }
0x37: {  	[smem:$0x3FB9] =	sst s10  }
0x38: {  	s10 =	sld [smem:$0x3FBA]  }
0x39: {  	_ = 	snop;
	(pc) =	sbr.ind lr, $3  }
0x3a: {  	_ = 	snop  }
0x3b: {  	_ = 	snop  }
0x3c: {  	p2 =	seq.s32 s10, $0x1;
	s10 =	sld [smem:$0x3FB9]  }
0x3d: {  	_ =	shalt  }
0x3e: {  	_ =	shalt  }
0x3f: {  	_ =	shalt  }
0x40: {  	_ =	shalt  }
0x41: {  	_ =	shalt  }
0x42: {  	_ =	shalt  }
0x43: {  	_ =	shalt  }
0x44: {  	_ =	shalt  }
0x45: {  	_ =	shalt  }
0x46: {  	_ =	shalt  }
0x47: {  	_ =	shalt  }
0x48: {  	_ =	shalt  }
0x49: {  	_ =	shalt  }
0x4a: {  	_ =	shalt  }
0x4b: {  	_ =	shalt  }
0x4c: {  	_ =	shalt  }
0x4d: {  	_ =	shalt  }
0x4e: {  	_ =	shalt  }
0x4f: {  	_ =	shalt  }
0x50: {  	_ =	shalt  }
0x51: {  	_ =	shalt  }
0x52: {  	_ =	shalt  }
0x53: {  	_ =	shalt  }
0x54: {  	_ =	shalt  }
0x55: {  	_ =	shalt  }
0x56: {  	_ =	shalt  }
0x57: {  	_ =	shalt  }
0x58: {  	_ =	shalt  }
0x59: {  	_ =	shalt  }
0x5a: {  	_ =	shalt  }
0x5b: {  	_ =	shalt  }
0x5c: {  	_ =	shalt  }
0x5d: {  	_ =	shalt  }
0x5e: {  	_ =	shalt  }
0x5f: {  	_ =	shalt  }
0x60: {  	_ =	shalt  }
0x61: {  	_ =	shalt  }
0x62: {  	_ =	shalt  }
0x63: {  	_ =	shalt  }
0x64: {  	_ =	shalt  }
0x65: {  	_ =	shalt  }
0x66: {  	_ =	shalt  }
0x67: {  	_ =	shalt  }
0x68: {  	_ =	shalt  }
0x69: {  	_ =	shalt  }
0x6a: {  	_ =	shalt  }
0x6b: {  	_ =	shalt  }
0x6c: {  	_ =	shalt  }
0x6d: {  	_ =	shalt  }
0x6e: {  	_ =	shalt  }
0x6f: {  	_ =	shalt  }
0x70: {  	_ =	shalt  }
0x71: {  	_ =	shalt  }
0x72: {  	_ =	shalt  }
0x73: {  	_ =	shalt  }
0x74: {  	_ =	shalt  }
0x75: {  	_ =	shalt  }
0x76: {  	_ =	shalt  }
0x77: {  	_ =	shalt  }
0x78: {  	_ =	shalt  }
0x79: {  	_ =	shalt  }
0x7a: {  	_ =	shalt  }
0x7b: {  	_ =	shalt  }
0x7c: {  	_ =	shalt  }
0x7d: {  	_ =	shalt  }
0x7e: {  	_ =	shalt  }
0x7f: {  	_ =	shalt  }
0x80: {  	_ =	shalt  }
0x81: {  	_ =	shalt  }
0x82: {  	_ =	shalt  }
0x83: {  	_ =	shalt  }
0x84: {  	_ =	shalt  }
0x85: {  	_ =	shalt  }
0x86: {  	_ =	shalt  }
0x87: {  	_ =	shalt  }
.Lfunc_end0:
.L_simem_size_0:
called_computation_lowered:
.L_overlay_start_0:
0x88: {  	s0 =	sld [smem:$0x3FD9]  }
0x89: {  	s1 =	sld [smem:$0x3FFE];
	_ =	sdelay $0x3  }
0x8a: {  	s0 =	sadd.s32 s1, s0  }
0x8b: {  	[smem:$0x3FC5] =	sst s0  }
0x8c: {  	_ = 	snop  }
0x8d: {  	(tm) =	ssettm $0x1  }
0x8e: {  	s15 =	sld [smem:$0x3FFB];
	_ =	sdelay $0x3  }
0x8f: {  	_ =	strace s15  }
0x90: {  	s0 =	sld [smem:$0x3FFC];
	_ =	sdelay $0x3  }
0x91: {  	_ =	strace s0  }
0x92: {  	s0 =	sld [smem:$0x3FFD];
	_ =	sdelay $0x3  }
0x93: {  	_ =	strace s0  }
0x94: {  	_ =	strace $0x8FFFFFFF  }
0x95: {  	s16 =	sld [smem:$0x3FDB];
	_ =	sdelay $0x1  }
0x96: {  	s17 =	simm.s32 $_scs_section_size  }
0x97: {  	s2 =	simm.s32 $_size__tile_overlayer_lowered;
	s3 =	simm.s32 $_tile_overlayer_lowered  }
0x98: {  	s20 =	simm.s32 $0x1BFF;
	s19 =	sshll.u32 s3, $0x1;
	s0 =	sadd.s32 s17, s16  }
0x99: {  	s4 =	simm.s32 $0x0;
	s18 =	sshll.u32 s2, $0x1;
	s2 =	sadd.s32 s19, s0  }
0x9a: {  	[timem:s4], [sflag:s20] =	dma.local [hbm:s2], s18  }
0x9b: {  	_ =	swait.ge [sflag:s20], s18  }
0x9c: {  	s1 =	ssub.s32 $0x0, s18;
	[sflag:s20] =	ssyncset.done $0x0  }
0x9d: {  	[sflag:s20] =	ssyncadd.s32 s1;
	_ =	sdelay $0x1  }
0x9e: {  	s21 =	simm.s32 $0x1B8B  }
0x9f: {  	_ =	swait.ge [sflag:s21], $0x1  }
0xa0: {  	[sflag:s21] =	ssyncset.done $0x0  }
0xa1: {  	s23 =	simm.s32 $0x1B8E;
	s22 =	sld [smem:$0x3FFE];
	[sflag:s21] =	ssyncadd.s32 $0xFFFFFFFF  }
0xa2: {  	s24 =	simm.s32 $execute0_lowered;
	[smem:$0x3FD2] =	sst s23  }
0xa3: {  	s2 =	sshll.u32 s24, $0x1;
	_ =	strace $0x80000046;
	[dreg:$0x1] =	wrdreg $0xFFFFFFFF  }
0xa4: {  	s25 =	simm.s32 $_size_execute0_lowered;
	s0 =	sadd.s32 s0, s2;
	[dreg:$0x0] =	wrdreg $0x0  }
0xa5: {  	s2 =	sshll.u32 s25, $0x1;
	[dreg:$0x2] =	wrdreg s0  }
0xa6: {  	[dreg:$0x3] =	wrdreg s2  }
0xa7: {  	[dreg:$0x4] =	wrdreg $0xC0  }
0xa8: {  	_ =	task [dreg:s4], $0x5FFFF  }
0xa9: {  	[dreg:$0x1] =	wrdreg $0xFFFFFFFF  }
0xaa: {  	[dreg:$0x0] =	wrdreg $0x60  }
0xab: {  	[dreg:$0x2] =	wrdreg s22  }
0xac: {  	[dreg:$0x3] =	wrdreg $0x9  }
0xad: {  	_ =	task.clear_ibuf [dreg:s4], $0x4FFFF;
	_ =	strace $0x90000046  }
0xae: {  	s26 =	simm.s32 $0x9;
	_ =	strace $0x80000048  }
0xaf: {  	_ =	swait.ge [sflag:s26], $0x1  }
0xb0: {  	[sflag:s26] =	ssyncadd.s32 $0xFFFFFFFF  }
0xb1: {  	_ =	strace $0x90000048  }
0xb2: {  	_ =	sfence  }
0xb3: {  	s28 =	sld [smem:$0x0];
	_ =	sdelay $0x1  }
0xb4: {  	s29 =	srdreg.scid  }
0xb5: {  	s30 =	sshll.u32 s29, $0xD;
	s31 =	sshrl.u32 s29, $0x2  }
0xb6: {  	s1 =	sand.u32 $0x1, s29;
	s2 =	sand.u32 $0x4000, s30;
	s0 =	sadd.s32 s31, s28  }
0xb7: {  	s1 =	sor.u32 s2, s1;
	s0 =	sshll.u32 s0, $0x11  }
0xb8: {  	s0 =	sor.u32 s0, s1  }
0xb9: {  	s0 =	sadd.s32 $0x8F2B, s0  }
0xba: {  	[sflag:s0] =	ssyncadd.remote.s32 $0x1  }
0xbb: {  	_ =	sfence.sel $0xFFFF  }
0xbc: {  	[dreg:$0x0] =	wrdreg $0xFFFFFFFF;
	(pc) =	sbr.abs _section_cstart, $3  }
0xbd: {  	[dreg:$0x1] =	wrdreg $0xFFFFFFFF  }
0xbe: {  	_ =	task.clear_ibuf [dreg:s4], $0x2FFFF;
	_ =	strace $0x9FFFFFFF  }
0xbf: {  	(tm) =	ssettm $0x7FFFFFFF  }
tec
execute0_lowered:
.L_overlay_start_1:
0x0: {  	(tag) =	ssettag $0x1  }
0x1: {  	s7 =	rddreg [dreg:$0x0];
	s2 =	simm.s32 $0x0;
	s1 =	stileid.u32  }
0x2: {  	[smem:$0x7FF] =	sst s2;
	s4 =	sadd.s32 $0x1E00, s7;
	s6 =	sshll.u32 s1, $0x2  }
0x3: {  	s0 =	rddreg [dreg:$0x1];
	_ =	strace $0x80000047;
	s3 =	sadd.s32 s4, s6  }
0x4: {  	[tilespmem:s2], [sflag:$0x1] =	stream.linear.gather [hbm4b:s3+s2], $0x10, $0x38;
	[tilespmem:$0x480] =	vst v63  }
0x5: {  	s3 =	simm.s32 $0x1  }
0x6: {  	_ =	swait.ge [sflag:s3], $0x10  }
0x7: {  	s5 =	sadd.s32 $0x1C00, s7;
	[sflag:s3] =	ssyncset.done $0x0  }
0x8: {  	s9 =	simm.s32 $0x80;
	s8 =	sadd.s32 s5, s6;
	[sflag:s3] =	ssyncadd.s32 $0xFFFFFFF0  }
0x9: {  	[tilespmem:s9], [sflag:$0x1] =	stream.linear.gather [hbm4b:s8+s2], $0x10, $0x38;
	[tilespmem:$0x480] =	vst v63  }
0xa: {  	_ =	swait.ge [sflag:s3], $0x10  }
0xb: {  	s25 =	sadd.s32 $0x1A00, s7;
	[sflag:s3] =	ssyncset.done $0x0  }
0xc: {  	s11 =	simm.s32 $0x100;
	s10 =	sadd.s32 s25, s6;
	[sflag:s3] =	ssyncadd.s32 $0xFFFFFFF0  }
0xd: {  	[tilespmem:s11], [sflag:$0x1] =	stream.linear.gather [hbm4b:s10+s2], $0x10, $0x38;
	[tilespmem:$0x480] =	vst v63  }
0xe: {  	_ =	swait.ge [sflag:s3], $0x10  }
0xf: {  	s26 =	sadd.s32 $0x1800, s7;
	[sflag:s3] =	ssyncset.done $0x0  }
0x10: {  	s13 =	simm.s32 $0x180;
	s12 =	sadd.s32 s26, s6;
	[sflag:s3] =	ssyncadd.s32 $0xFFFFFFF0  }
0x11: {  	[tilespmem:s13], [sflag:$0x1] =	stream.linear.gather [hbm4b:s12+s2], $0x10, $0x38;
	[tilespmem:$0x480] =	vst v63  }
0x12: {  	_ =	swait.ge [sflag:s3], $0x10  }
0x13: {  	s28 =	sadd.s32 $0x1600, s7;
	[sflag:s3] =	ssyncset.done $0x0  }
0x14: {  	s15 =	simm.s32 $0x200;
	s14 =	sadd.s32 s28, s6;
	[sflag:s3] =	ssyncadd.s32 $0xFFFFFFF0  }
0x15: {  	[tilespmem:s15], [sflag:$0x1] =	stream.linear.gather [hbm4b:s14+s2], $0x10, $0x38;
	[tilespmem:$0x480] =	vst v63  }
0x16: {  	_ =	swait.ge [sflag:s3], $0x10  }
0x17: {  	s29 =	sadd.s32 $0x1400, s7;
	[sflag:s3] =	ssyncset.done $0x0  }
0x18: {  	s17 =	simm.s32 $0x280;
	s16 =	sadd.s32 s29, s6;
	[sflag:s3] =	ssyncadd.s32 $0xFFFFFFF0  }
0x19: {  	[tilespmem:s17], [sflag:$0x1] =	stream.linear.gather [hbm4b:s16+s2], $0x10, $0x38;
	[tilespmem:$0x480] =	vst v63  }
0x1a: {  	_ =	swait.ge [sflag:s3], $0x10  }
0x1b: {  	s30 =	sadd.s32 $0x1200, s7;
	[sflag:s3] =	ssyncset.done $0x0  }
0x1c: {  	s19 =	simm.s32 $0x300;
	s18 =	sadd.s32 s30, s6;
	[sflag:s3] =	ssyncadd.s32 $0xFFFFFFF0  }
0x1d: {  	[tilespmem:s19], [sflag:$0x1] =	stream.linear.gather [hbm4b:s18+s2], $0x10, $0x38;
	[tilespmem:$0x480] =	vst v63  }
0x1e: {  	_ =	swait.ge [sflag:s3], $0x10  }
0x1f: {  	[sflag:s3] =	ssyncset.done $0x0  }
0x20: {  	[sflag:s3] =	ssyncadd.s32 $0xFFFFFFF0  }
0x21: {  	v0 =	vld [tilespmem:$0x200];
	_ =	sdelay $0x4  }
0x22: {  	(erf) = vrcp.f32 v0  }
0x23: {  	v44 =	vld [tilespmem:$0x300]  }
0x24: {  	v1 =	vld [tilespmem:$0x100]  }
0x25: {  	v2 =	vld [tilespmem:$0x0];
	_ =	sdelay $0x1  }
0x26: {  	v3 =	vld [tilespmem:$0x180]  }
0x27: {  	v4 =	vld [tilespmem:$0x80];
	(erf) = vrcp.f32 v44  }
0x28: {  	v45 =	vld [tilespmem:$0x280]  }
0x29: {  	v1 =	vsub.f32 v1, v2  }
0x2a: {  	v46 =	vpop (erf)  }
0x2b: {  	v2 =	vmul.f32 v46, v1;
	_ =	sdelay $0x1  }
0x2c: {  	v3 =	vsub.f32 v3, v4;
	v0 =	vmul.f32 v2, v45;
	_ =	sdelay $0x1  }
0x2d: {  	v1 =	vand.u32 $0x7FFFFFFF, v1;
	v0 =	vsub.f32 v3, v0  }
0x2e: {  	v47 =	vpop (erf);
	v48 =	vmul.f32 $5.000000000e-01, v1;
	v3 =	vand.u32 $0x7FFFFFFF, v3  }
0x2f: {  	v5 =	vmul.f32 $5.000000000e-01, v3;
	v0 =	vmul.f32 v0, v47  }
0x30: {  	v6 =	vadd.f32 $-5.000000000e-01, v1;
	v2 =	vmul.f32 v2, v2;
	v4 =	vmul.f32 v48, v1  }
0x31: {  	v7 =	vadd.f32 $-5.000000000e-01, v3;
	v5 =	vmul.f32 v5, v3;
	v0 =	vmul.f32 v0, v0  }
0x32: {  	vm0 =	vlt.f32 v1, $1.000000000e+00;
	vm1 =	vlt.f32 v3, $1.000000000e+00  }
0x33: {  	v1 =	vsel vm0, v4, v6;
	v49 =	vsel vm1, v5, v7;
	v0 =	vadd.f32 v0, v2  }
0x34: {  	v1 =	vadd.f32 v49, v1  }
0x35: {  	v0 =	vmul.f32 $5.000000000e-01, v0  }
0x36: {  	s31 =	sadd.s32 $0x2000, s7;
	[tilespmem:$0x380] =	vst v1  }
0x37: {  	s20 =	simm.s32 $0x380;
	s21 =	sadd.s32 s31, s6;
	[tilespmem:$0x400] =	vst v0  }
0x38: {  	[hbm4b:s21+s2] =	stream.linear.scatter [tilespmem:s20], [sflag:$0x1], $0x10, $0x38;
	[tilespmem:$0x480] =	vst v63  }
0x39: {  	_ =	swait.ge [sflag:s3], $0x10  }
0x3a: {  	s7 =	sadd.s32 $0x2200, s7;
	[sflag:s3] =	ssyncset.done $0x0  }
0x3b: {  	s22 =	sadd.s32 s7, s6;
	s21 =	simm.s32 $0x400;
	[sflag:s3] =	ssyncadd.s32 $0xFFFFFFF0  }
0x3c: {  	[hbm4b:s22+s2] =	stream.linear.scatter [tilespmem:s21], [sflag:$0x1], $0x10, $0x38;
	[tilespmem:$0x480] =	vst v63  }
0x3d: {  	_ =	swait.ge [sflag:s3], $0x10  }
0x3e: {  	s6 =	sor.u32 $0x2, s6;
	[sflag:s3] =	ssyncset.done $0x0  }
0x3f: {  	s4 =	sadd.s32 s4, s6;
	[sflag:s3] =	ssyncadd.s32 $0xFFFFFFF0  }
0x40: {  	[tilespmem:s2], [sflag:$0x1] =	stream.linear.gather [hbm4b:s4+s2], $0x10, $0x38;
	[tilespmem:$0x480] =	vst v63  }
0x41: {  	_ =	swait.ge [sflag:s3], $0x10  }
0x42: {  	[sflag:s3] =	ssyncset.done $0x0  }
0x43: {  	s23 =	sadd.s32 s5, s6;
	[sflag:s3] =	ssyncadd.s32 $0xFFFFFFF0  }
0x44: {  	[tilespmem:s9], [sflag:$0x1] =	stream.linear.gather [hbm4b:s23+s2], $0x10, $0x38;
	[tilespmem:$0x480] =	vst v63  }
0x45: {  	_ =	swait.ge [sflag:s3], $0x10  }
0x46: {  	[sflag:s3] =	ssyncset.done $0x0  }
0x47: {  	s24 =	sadd.s32 s25, s6;
	[sflag:s3] =	ssyncadd.s32 $0xFFFFFFF0  }
0x48: {  	[tilespmem:s11], [sflag:$0x1] =	stream.linear.gather [hbm4b:s24+s2], $0x10, $0x38;
	[tilespmem:$0x480] =	vst v63  }
0x49: {  	_ =	swait.ge [sflag:s3], $0x10  }
0x4a: {  	[sflag:s3] =	ssyncset.done $0x0  }
0x4b: {  	s25 =	sadd.s32 s26, s6;
	[sflag:s3] =	ssyncadd.s32 $0xFFFFFFF0  }
0x4c: {  	[tilespmem:s13], [sflag:$0x1] =	stream.linear.gather [hbm4b:s25+s2], $0x10, $0x38;
	[tilespmem:$0x480] =	vst v63  }
0x4d: {  	_ =	swait.ge [sflag:s3], $0x10  }
0x4e: {  	[sflag:s3] =	ssyncset.done $0x0  }
0x4f: {  	s26 =	sadd.s32 s28, s6;
	[sflag:s3] =	ssyncadd.s32 $0xFFFFFFF0  }
0x50: {  	[tilespmem:s15], [sflag:$0x1] =	stream.linear.gather [hbm4b:s26+s2], $0x10, $0x38;
	[tilespmem:$0x480] =	vst v63  }
0x51: {  	_ =	swait.ge [sflag:s3], $0x10  }
0x52: {  	[sflag:s3] =	ssyncset.done $0x0  }
0x53: {  	s28 =	sadd.s32 s29, s6;
	[sflag:s3] =	ssyncadd.s32 $0xFFFFFFF0  }
0x54: {  	[tilespmem:s17], [sflag:$0x1] =	stream.linear.gather [hbm4b:s28+s2], $0x10, $0x38;
	[tilespmem:$0x480] =	vst v63  }
0x55: {  	_ =	swait.ge [sflag:s3], $0x10  }
0x56: {  	[sflag:s3] =	ssyncset.done $0x0  }
0x57: {  	s29 =	sadd.s32 s30, s6;
	[sflag:s3] =	ssyncadd.s32 $0xFFFFFFF0  }
0x58: {  	[tilespmem:s19], [sflag:$0x1] =	stream.linear.gather [hbm4b:s29+s2], $0x10, $0x38;
	[tilespmem:$0x480] =	vst v63  }
0x59: {  	_ =	swait.ge [sflag:s3], $0x10  }
0x5a: {  	[sflag:s3] =	ssyncset.done $0x0  }
0x5b: {  	[sflag:s3] =	ssyncadd.s32 $0xFFFFFFF0  }
0x5c: {  	v50 =	vld [tilespmem:$0x200];
	_ =	sdelay $0x4  }
0x5d: {  	(erf) = vrcp.f32 v50  }
0x5e: {  	v51 =	vld [tilespmem:$0x300]  }
0x5f: {  	v52 =	vld [tilespmem:$0x100]  }
0x60: {  	v53 =	vld [tilespmem:$0x0];
	_ =	sdelay $0x1  }
0x61: {  	v54 =	vld [tilespmem:$0x180]  }
0x62: {  	v55 =	vld [tilespmem:$0x80];
	(erf) = vrcp.f32 v51  }
0x63: {  	v56 =	vld [tilespmem:$0x280]  }
0x64: {  	v1 =	vsub.f32 v52, v53  }
0x65: {  	v57 =	vpop (erf)  }
0x66: {  	v2 =	vmul.f32 v57, v1;
	_ =	sdelay $0x1  }
0x67: {  	v3 =	vsub.f32 v54, v55;
	v0 =	vmul.f32 v2, v56;
	_ =	sdelay $0x1  }
0x68: {  	v1 =	vand.u32 $0x7FFFFFFF, v1;
	v0 =	vsub.f32 v3, v0  }
0x69: {  	v58 =	vpop (erf);
	v59 =	vmul.f32 $5.000000000e-01, v1;
	v3 =	vand.u32 $0x7FFFFFFF, v3  }
0x6a: {  	v60 =	vmul.f32 $5.000000000e-01, v3;
	v0 =	vmul.f32 v0, v58  }
0x6b: {  	v61 =	vadd.f32 $-5.000000000e-01, v1;
	v2 =	vmul.f32 v2, v2;
	v4 =	vmul.f32 v59, v1  }
0x6c: {  	v62 =	vadd.f32 $-5.000000000e-01, v3;
	v5 =	vmul.f32 v60, v3;
	v0 =	vmul.f32 v0, v0  }
0x6d: {  	vm14 =	vlt.f32 v1, $1.000000000e+00;
	vm15 =	vlt.f32 v3, $1.000000000e+00  }
0x6e: {  	v1 =	vsel vm14, v4, v61;
	v63 =	vsel vm15, v5, v62;
	v0 =	vadd.f32 v0, v2  }
0x6f: {  	v1 =	vadd.f32 v63, v1  }
0x70: {  	v0 =	vmul.f32 $5.000000000e-01, v0  }
0x71: {  	[tilespmem:$0x380] =	vst v1  }
0x72: {  	s30 =	sadd.s32 s31, s6;
	[tilespmem:$0x400] =	vst v0  }
0x73: {  	[hbm4b:s30+s2] =	stream.linear.scatter [tilespmem:s20], [sflag:$0x1], $0x10, $0x38;
	[tilespmem:$0x480] =	vst v63  }
0x74: {  	_ =	swait.ge [sflag:s3], $0x10  }
0x75: {  	[sflag:s3] =	ssyncset.done $0x0  }
0x76: {  	s31 =	sadd.s32 s7, s6;
	[sflag:s3] =	ssyncadd.s32 $0xFFFFFFF0  }
0x77: {  	[hbm4b:s31+s2] =	stream.linear.scatter [tilespmem:s21], [sflag:$0x1], $0x10, $0x38;
	[tilespmem:$0x480] =	vst v63  }
0x78: {  	_ =	swait.ge [sflag:s3], $0x10  }
0x79: {  	[sflag:s3] =	ssyncset.done $0x0  }
0x7a: {  	[sflag:s3] =	ssyncadd.s32 $0xFFFFFFF0  }
0x7b: {  	_ =	sfence.sel $0x180000  }
0x7c: {  	[bflag:$0x0] =	sbarrier.arrive $0xFFFF  }
0x7d: {  	p0 =	sne.s32 s1, $0x0;
	_ =	strace $0x90000047  }
0x7e: {  	s0 =	sadd.s32 @!p0 $0x100000, s0;
	[bflag:$0x2] =	sbarrier.arrive $0xFFFF  }
0x7f: {  	[sflag:s0] =	ssyncadd.tile.s32 @!p0 $0x1;
	_ =	shalt  }
.Lfunc_end2:
_tile_overlayer_lowered:
.L_overlay_start_2:
0x80: {  	(tag) =	ssettag $0x2  }
0x81: {  	s0 =	rddreg [dreg:$0x0];
	s2 =	stileid.u32  }
0x82: {  	s1 =	rddreg [dreg:$0x1];
	p0 =	sne.s32 s2, $0x0  }
0x83: {  	s3 =	rddreg [dreg:$0x2];
	[bflag:$0x3] =	sbarrier.arrive $0xFFFF;
	s2 =	simm.s32 @!p0 $0x1C01  }
0x84: {  	[timem:s3], [sflag:s2] =	dma.local @!p0 [hbm:s0], s1  }
0x85: {  	s0 =	simm.s32 @!p0 $0x1  }
0x86: {  	_ =	swait.ge @!p0 [sflag:s0], s1  }
0x87: {  	s1 =	ssub.s32 @!p0 $0x0, s1;
	[sflag:s0] =	ssyncset.done @!p0 $0x0  }
0x88: {  	[sflag:s0] =	ssyncadd.s32 @!p0 s1  }
0x89: {  	[bflag:$0x3] =	sbarrier.arrive $0xFFFF  }
0x8a: {  	_ =	shalt  }

</sc_bundles>
